<compile_context>
chip_gen: v7x
topology: tpu7x:2x2x1
jax: 0.10.2.dev20260603
libtpu: 0.0.44.dev20260713+nightly
codegen_flags: <defaults>
</compile_context>

<pallas_src>
import functools

import jax
import jax.numpy as jnp
from jax import lax
from jax.experimental import pallas as pl
from jax.experimental.pallas import tpu as pltpu
from jax.experimental.pallas import tpu_sc as plsc

_NUM_CLASSES = 1000
_HIDDEN = 128
_BATCH = 16384
_ROWS = _NUM_CLASSES + 1

_NC = 2
_NS = 16
_NW = _NC * _NS
_BPW = _BATCH // _NW
_CHUNK = 32
_NCHUNK = _BPW // _CHUNK
_L = 16

_ROWS_PAD = 1024
_RPT = _ROWS_PAD // _NS


@functools.partial(
    pl.kernel,
    mesh=plsc.VectorSubcoreMesh(core_axis_name="c", subcore_axis_name="s"),
    out_type=jax.ShapeDtypeStruct((_BATCH, _HIDDEN), jnp.float32),
    scratch_types=[
        pltpu.VMEM((_BPW,), jnp.int32),
        pltpu.VMEM((_BPW,), jnp.int32),
        pltpu.VMEM((_BPW, _HIDDEN), jnp.float32),
        pltpu.VMEM_SHARED((_ROWS_PAD, _HIDDEN), jnp.float32),
        pltpu.SemaphoreType.DMA,
        pltpu.SemaphoreType.DMA,
    ] + [pltpu.SemaphoreType.DMA] * 16,
)
def _embed(labels_hbm, drop_hbm, table_hbm, out_hbm,
           lbl_v, drop_v, rows_v, table_s, lsem, ssem, *gsems):
    cid = lax.axis_index("c")
    sid = lax.axis_index("s")
    base = (sid * _NC + cid) * _BPW
    tbase = sid * _RPT

    pltpu.async_copy(labels_hbm.at[pl.ds(base, _BPW)], lbl_v, lsem)
    pltpu.async_copy(drop_hbm.at[pl.ds(base, _BPW)], drop_v, lsem)

    _H = _RPT // 2
    h0 = pltpu.async_copy(table_hbm.at[pl.ds(tbase, _H)],
                          rows_v.at[pl.ds(0, _H)], gsems[0])
    h1 = pltpu.async_copy(table_hbm.at[pl.ds(tbase + _H, _H)],
                          rows_v.at[pl.ds(_H, _H)], gsems[1])
    h0.wait()
    s0 = pltpu.async_copy(rows_v.at[pl.ds(0, _H)],
                          table_s.at[pl.ds(tbase, _H)], gsems[2])
    h1.wait()
    s1 = pltpu.async_copy(rows_v.at[pl.ds(_H, _H)],
                          table_s.at[pl.ds(tbase + _H, _H)], gsems[3])

    pltpu.make_async_copy(labels_hbm.at[pl.ds(base, _BPW)], lbl_v, lsem).wait()
    pltpu.make_async_copy(drop_hbm.at[pl.ds(base, _BPW)], drop_v, lsem).wait()

    def mask_body(i, carry):
        s = pl.ds(i * _L, _L)
        lbl_v[s] = jnp.where(drop_v[s] == 1, _NUM_CLASSES, lbl_v[s])
        return carry

    lax.fori_loop(0, _BPW // _L, mask_body, 0)

    s0.wait()
    s1.wait()
    plsc.subcore_barrier()

    gathers = []
    for j in range(_NCHUNK):
        gathers.append(
            pltpu.async_copy(
                table_s.at[lbl_v.at[pl.ds(j * _CHUNK, _CHUNK)]],
                rows_v.at[pl.ds(j * _CHUNK, _CHUNK)],
                gsems[j],
            )
        )
    stores = []
    for j in range(_NCHUNK):
        gathers[j].wait()
        stores.append(
            pltpu.async_copy(
                rows_v.at[pl.ds(j * _CHUNK, _CHUNK)],
                out_hbm.at[pl.ds(base + j * _CHUNK, _CHUNK)],
                ssem,
            )
        )
    for c in stores:
        c.wait()


def kernel(labels, force_drop_ids, embedding_table):
    table_p = jnp.pad(embedding_table, ((0, _ROWS_PAD - _ROWS), (0, 0)))
    return _embed(labels.astype(jnp.int32),
                  force_drop_ids.astype(jnp.int32),
                  table_p)

# --- scband reference (transcript-rebuilt; emitter-appended) ---
"""Pipeline reference for scband-label-embedder-18219251270380 (READ-ONLY COPY).

The authoritative reference and input builder live on the scoring server;
editing this copy changes nothing except your own understanding.
"""

import jax, jax.numpy as jnp
import numpy as np

NUM_CLASSES = 1000
HIDDEN = 128
BATCH = 16384


def setup_inputs(seed: int = 0) -> dict:
    key = jax.random.key(seed)
    k1, k2 = jax.random.split(key)
    labels = jax.random.randint(k1, (BATCH,), 0, NUM_CLASSES)
    # force_drop_ids all zeros -> no labels are dropped (deterministic path)
    force_drop_ids = jnp.zeros((BATCH,), dtype=jnp.int32)
    # embedding table: (num_classes + 1 cfg row, hidden), init normal std=0.02
    embedding_table = jax.random.normal(k2, (NUM_CLASSES + 1, HIDDEN), dtype=jnp.float32) * 0.02
    return {"labels": labels, "force_drop_ids": force_drop_ids, "embedding_table": embedding_table}


def reference(labels, force_drop_ids, embedding_table):
    # labels is 1D -> skip argmax branch
    # class_drop_prob=0.1 > 0, but force_drop_ids is provided, so drop_ids = (force_drop_ids == 1)
    drop_ids = force_drop_ids == 1
    labels = jnp.where(drop_ids, NUM_CLASSES, labels)
    embeddings = jnp.take(embedding_table, labels, axis=0)
    return embeddings

if __name__ == "__main__":
    import jax
    _d = setup_inputs()
    print(jax.jit(kernel)(*tuple(_d.values())))

</pallas_src>

<mosaic_0001>
#map = affine_map<(d0, d1) -> (0)>
#map1 = affine_map<(d0, d1) -> (0, 0)>
module attributes {stable_mosaic.version = 14 : i64} {
  func.func @_embed(%arg0: i32, %arg1: i32, %arg2: memref<16384xi32, #tpu.memory_space<hbm>>, %arg3: memref<16384xi32, #tpu.memory_space<hbm>>, %arg4: memref<1024x128xf32, #tpu.memory_space<hbm>>, %arg5: memref<16384x128xf32, #tpu.memory_space<hbm>>, %arg6: memref<512xi32, #tpu.memory_space<vmem>>, %arg7: memref<512xi32, #tpu.memory_space<vmem>>, %arg8: memref<512x128xf32, #tpu.memory_space<vmem>>, %arg9: memref<1024x128xf32, #tpu.memory_space<vmem_shared>>, %arg10: memref<!tpu.dma_semaphore, #tpu.memory_space<semaphore_mem>>, %arg11: memref<!tpu.dma_semaphore, #tpu.memory_space<semaphore_mem>>, %arg12: memref<!tpu.dma_semaphore, #tpu.memory_space<semaphore_mem>>, %arg13: memref<!tpu.dma_semaphore, #tpu.memory_space<semaphore_mem>>, %arg14: memref<!tpu.dma_semaphore, #tpu.memory_space<semaphore_mem>>, %arg15: memref<!tpu.dma_semaphore, #tpu.memory_space<semaphore_mem>>, %arg16: memref<!tpu.dma_semaphore, #tpu.memory_space<semaphore_mem>>, %arg17: memref<!tpu.dma_semaphore, #tpu.memory_space<semaphore_mem>>, %arg18: memref<!tpu.dma_semaphore, #tpu.memory_space<semaphore_mem>>, %arg19: memref<!tpu.dma_semaphore, #tpu.memory_space<semaphore_mem>>, %arg20: memref<!tpu.dma_semaphore, #tpu.memory_space<semaphore_mem>>, %arg21: memref<!tpu.dma_semaphore, #tpu.memory_space<semaphore_mem>>, %arg22: memref<!tpu.dma_semaphore, #tpu.memory_space<semaphore_mem>>, %arg23: memref<!tpu.dma_semaphore, #tpu.memory_space<semaphore_mem>>, %arg24: memref<!tpu.dma_semaphore, #tpu.memory_space<semaphore_mem>>, %arg25: memref<!tpu.dma_semaphore, #tpu.memory_space<semaphore_mem>>, %arg26: memref<!tpu.dma_semaphore, #tpu.memory_space<semaphore_mem>>, %arg27: memref<!tpu.dma_semaphore, #tpu.memory_space<semaphore_mem>>) attributes {dimension_semantics = [#tpu.dimension_semantics<core_parallel>, #tpu.dimension_semantics<subcore_parallel>], iteration_bounds = array<i64: 2, 16>, scalar_prefetch = 0 : i64, scratch_operands = 22 : i64, tpu.core_type = #tpu.core_type<sc_vector_subcore>, window_params = [{transform_indices = #map}, {transform_indices = #map}, {transform_indices = #map1}, {transform_indices = #map1}]} {
    %mul3A = arith.constant 2 : i32
    %mul3A_0 = arith.muli %arg1, %mul3A : i32
    %add3A = arith.addi %mul3A_0, %arg0 : i32
    %mul3A_1 = arith.constant 512 : i32
    %mul3A_2 = arith.muli %add3A, %mul3A_1 : i32
    %mul3A_3 = arith.constant 64 : i32
    %mul3A_4 = arith.muli %arg1, %mul3A_3 : i32
    %dma_start3A = tpu.memref_slice %arg2[%mul3A_2] : memref<16384xi32, #tpu.memory_space<hbm>> -> memref<512xi32, #tpu.memory_space<hbm>>
    %dma_start3A_5 = tpu.memref_slice %arg2[%mul3A_2] : memref<16384xi32, #tpu.memory_space<hbm>> -> memref<512xi32, #tpu.memory_space<hbm>>
    tpu.enqueue_dma source(%dma_start3A_5 : memref<512xi32, #tpu.memory_space<hbm>>) target(%arg6 : memref<512xi32, #tpu.memory_space<vmem>>) target_semaphore(%arg10 : memref<!tpu.dma_semaphore, #tpu.memory_space<semaphore_mem>>)
    %dma_start3A_6 = tpu.memref_slice %arg3[%mul3A_2] : memref<16384xi32, #tpu.memory_space<hbm>> -> memref<512xi32, #tpu.memory_space<hbm>>
    %dma_start3A_7 = tpu.memref_slice %arg3[%mul3A_2] : memref<16384xi32, #tpu.memory_space<hbm>> -> memref<512xi32, #tpu.memory_space<hbm>>
    tpu.enqueue_dma source(%dma_start3A_7 : memref<512xi32, #tpu.memory_space<hbm>>) target(%arg7 : memref<512xi32, #tpu.memory_space<vmem>>) target_semaphore(%arg10 : memref<!tpu.dma_semaphore, #tpu.memory_space<semaphore_mem>>)
    %dma_start3A_8 = arith.constant 0 : i32
    %dma_start3A_9 = arith.constant 0 : i32
    %dma_start3A_10 = tpu.memref_slice %arg8[%dma_start3A_8, %dma_start3A_9] : memref<512x128xf32, #tpu.memory_space<vmem>> -> memref<32x128xf32, #tpu.memory_space<vmem>>
    %dma_start3A_11 = arith.constant 0 : i32
    %dma_start3A_12 = tpu.memref_slice %arg4[%mul3A_4, %dma_start3A_11] : memref<1024x128xf32, #tpu.memory_space<hbm>> -> memref<32x128xf32, #tpu.memory_space<hbm>>
    %dma_start3A_13 = arith.constant 0 : i32
    %dma_start3A_14 = arith.constant 0 : i32
    %dma_start3A_15 = tpu.memref_slice %arg8[%dma_start3A_13, %dma_start3A_14] : memref<512x128xf32, #tpu.memory_space<vmem>> -> memref<32x128xf32, #tpu.memory_space<vmem>>
    %dma_start3A_16 = arith.constant 0 : i32
    %dma_start3A_17 = tpu.memref_slice %arg4[%mul3A_4, %dma_start3A_16] : memref<1024x128xf32, #tpu.memory_space<hbm>> -> memref<32x128xf32, #tpu.memory_space<hbm>>
    tpu.enqueue_dma source(%dma_start3A_17 : memref<32x128xf32, #tpu.memory_space<hbm>>) target(%dma_start3A_15 : memref<32x128xf32, #tpu.memory_space<vmem>>) target_semaphore(%arg12 : memref<!tpu.dma_semaphore, #tpu.memory_space<semaphore_mem>>)
    %add3A_18 = arith.constant 32 : i32
    %add3A_19 = arith.addi %mul3A_4, %add3A_18 : i32
    %dma_start3A_20 = arith.constant 32 : i32
    %dma_start3A_21 = arith.constant 0 : i32
    %dma_start3A_22 = tpu.memref_slice %arg8[%dma_start3A_20, %dma_start3A_21] : memref<512x128xf32, #tpu.memory_space<vmem>> -> memref<32x128xf32, #tpu.memory_space<vmem>>
    %dma_start3A_23 = arith.constant 0 : i32
    %dma_start3A_24 = tpu.memref_slice %arg4[%add3A_19, %dma_start3A_23] : memref<1024x128xf32, #tpu.memory_space<hbm>> -> memref<32x128xf32, #tpu.memory_space<hbm>>
    %dma_start3A_25 = arith.constant 32 : i32
    %dma_start3A_26 = arith.constant 0 : i32
    %dma_start3A_27 = tpu.memref_slice %arg8[%dma_start3A_25, %dma_start3A_26] : memref<512x128xf32, #tpu.memory_space<vmem>> -> memref<32x128xf32, #tpu.memory_space<vmem>>
    %dma_start3A_28 = arith.constant 0 : i32
    %dma_start3A_29 = tpu.memref_slice %arg4[%add3A_19, %dma_start3A_28] : memref<1024x128xf32, #tpu.memory_space<hbm>> -> memref<32x128xf32, #tpu.memory_space<hbm>>
    tpu.enqueue_dma source(%dma_start3A_29 : memref<32x128xf32, #tpu.memory_space<hbm>>) target(%dma_start3A_27 : memref<32x128xf32, #tpu.memory_space<vmem>>) target_semaphore(%arg13 : memref<!tpu.dma_semaphore, #tpu.memory_space<semaphore_mem>>)
    %dma_wait3A = arith.constant 0 : i32
    %dma_wait3A_30 = arith.constant 0 : i32
    %dma_wait3A_31 = tpu.memref_slice %arg8[%dma_wait3A, %dma_wait3A_30] : memref<512x128xf32, #tpu.memory_space<vmem>> -> memref<32x128xf32, #tpu.memory_space<vmem>>
    %dma_wait3A_32 = arith.constant 0 : i32
    %dma_wait3A_33 = tpu.memref_slice %arg4[%mul3A_4, %dma_wait3A_32] : memref<1024x128xf32, #tpu.memory_space<hbm>> -> memref<32x128xf32, #tpu.memory_space<hbm>>
    %dma_wait3A_34 = arith.constant 0 : i32
    %dma_wait3A_35 = arith.constant 0 : i32
    %dma_wait3A_36 = tpu.memref_slice %arg8[%dma_wait3A_34, %dma_wait3A_35] : memref<512x128xf32, #tpu.memory_space<vmem>> -> memref<32x128xf32, #tpu.memory_space<vmem>>
    %dma_wait3A_37 = arith.constant 0 : i32
    %dma_wait3A_38 = tpu.memref_slice %arg4[%mul3A_4, %dma_wait3A_37] : memref<1024x128xf32, #tpu.memory_space<hbm>> -> memref<32x128xf32, #tpu.memory_space<hbm>>
    tpu.wait_dma2 semaphore(%arg12 : memref<!tpu.dma_semaphore, #tpu.memory_space<semaphore_mem>>) src(%dma_wait3A_38 : memref<32x128xf32, #tpu.memory_space<hbm>>) dst(%dma_wait3A_36 : memref<32x128xf32, #tpu.memory_space<vmem>>)
    %dma_start3A_39 = arith.constant 0 : i32
    %dma_start3A_40 = arith.constant 0 : i32
    %dma_start3A_41 = tpu.memref_slice %arg8[%dma_start3A_39, %dma_start3A_40] : memref<512x128xf32, #tpu.memory_space<vmem>> -> memref<32x128xf32, #tpu.memory_space<vmem>>
    %dma_start3A_42 = arith.constant 0 : i32
    %dma_start3A_43 = tpu.memref_slice %arg9[%mul3A_4, %dma_start3A_42] : memref<1024x128xf32, #tpu.memory_space<vmem_shared>> -> memref<32x128xf32, #tpu.memory_space<vmem_shared>>
    %dma_start3A_44 = arith.constant 0 : i32
    %dma_start3A_45 = tpu.memref_slice %arg9[%mul3A_4, %dma_start3A_44] : memref<1024x128xf32, #tpu.memory_space<vmem_shared>> -> memref<32x128xf32, #tpu.memory_space<vmem_shared>>
    %dma_start3A_46 = arith.constant 0 : i32
    %dma_start3A_47 = arith.constant 0 : i32
    %dma_start3A_48 = tpu.memref_slice %arg8[%dma_start3A_46, %dma_start3A_47] : memref<512x128xf32, #tpu.memory_space<vmem>> -> memref<32x128xf32, #tpu.memory_space<vmem>>
    tpu.enqueue_dma source(%dma_start3A_48 : memref<32x128xf32, #tpu.memory_space<vmem>>) target(%dma_start3A_45 : memref<32x128xf32, #tpu.memory_space<vmem_shared>>) target_semaphore(%arg14 : memref<!tpu.dma_semaphore, #tpu.memory_space<semaphore_mem>>)
    %dma_wait3A_49 = arith.constant 32 : i32
    %dma_wait3A_50 = arith.constant 0 : i32
    %dma_wait3A_51 = tpu.memref_slice %arg8[%dma_wait3A_49, %dma_wait3A_50] : memref<512x128xf32, #tpu.memory_space<vmem>> -> memref<32x128xf32, #tpu.memory_space<vmem>>
    %dma_wait3A_52 = arith.constant 0 : i32
    %dma_wait3A_53 = tpu.memref_slice %arg4[%add3A_19, %dma_wait3A_52] : memref<1024x128xf32, #tpu.memory_space<hbm>> -> memref<32x128xf32, #tpu.memory_space<hbm>>
    %dma_wait3A_54 = arith.constant 32 : i32
    %dma_wait3A_55 = arith.constant 0 : i32
    %dma_wait3A_56 = tpu.memref_slice %arg8[%dma_wait3A_54, %dma_wait3A_55] : memref<512x128xf32, #tpu.memory_space<vmem>> -> memref<32x128xf32, #tpu.memory_space<vmem>>
    %dma_wait3A_57 = arith.constant 0 : i32
    %dma_wait3A_58 = tpu.memref_slice %arg4[%add3A_19, %dma_wait3A_57] : memref<1024x128xf32, #tpu.memory_space<hbm>> -> memref<32x128xf32, #tpu.memory_space<hbm>>
    tpu.wait_dma2 semaphore(%arg13 : memref<!tpu.dma_semaphore, #tpu.memory_space<semaphore_mem>>) src(%dma_wait3A_58 : memref<32x128xf32, #tpu.memory_space<hbm>>) dst(%dma_wait3A_56 : memref<32x128xf32, #tpu.memory_space<vmem>>)
    %add3A_59 = arith.constant 32 : i32
    %add3A_60 = arith.addi %mul3A_4, %add3A_59 : i32
    %dma_start3A_61 = arith.constant 32 : i32
    %dma_start3A_62 = arith.constant 0 : i32
    %dma_start3A_63 = tpu.memref_slice %arg8[%dma_start3A_61, %dma_start3A_62] : memref<512x128xf32, #tpu.memory_space<vmem>> -> memref<32x128xf32, #tpu.memory_space<vmem>>
    %dma_start3A_64 = arith.constant 0 : i32
    %dma_start3A_65 = tpu.memref_slice %arg9[%add3A_60, %dma_start3A_64] : memref<1024x128xf32, #tpu.memory_space<vmem_shared>> -> memref<32x128xf32, #tpu.memory_space<vmem_shared>>
    %dma_start3A_66 = arith.constant 0 : i32
    %dma_start3A_67 = tpu.memref_slice %arg9[%add3A_60, %dma_start3A_66] : memref<1024x128xf32, #tpu.memory_space<vmem_shared>> -> memref<32x128xf32, #tpu.memory_space<vmem_shared>>
    %dma_start3A_68 = arith.constant 32 : i32
    %dma_start3A_69 = arith.constant 0 : i32
    %dma_start3A_70 = tpu.memref_slice %arg8[%dma_start3A_68, %dma_start3A_69] : memref<512x128xf32, #tpu.memory_space<vmem>> -> memref<32x128xf32, #tpu.memory_space<vmem>>
    tpu.enqueue_dma source(%dma_start3A_70 : memref<32x128xf32, #tpu.memory_space<vmem>>) target(%dma_start3A_67 : memref<32x128xf32, #tpu.memory_space<vmem_shared>>) target_semaphore(%arg15 : memref<!tpu.dma_semaphore, #tpu.memory_space<semaphore_mem>>)
    %dma_wait3A_71 = tpu.memref_slice %arg2[%mul3A_2] : memref<16384xi32, #tpu.memory_space<hbm>> -> memref<512xi32, #tpu.memory_space<hbm>>
    %dma_wait3A_72 = tpu.memref_slice %arg2[%mul3A_2] : memref<16384xi32, #tpu.memory_space<hbm>> -> memref<512xi32, #tpu.memory_space<hbm>>
    tpu.wait_dma2 semaphore(%arg10 : memref<!tpu.dma_semaphore, #tpu.memory_space<semaphore_mem>>) src(%dma_wait3A_72 : memref<512xi32, #tpu.memory_space<hbm>>) dst(%arg6 : memref<512xi32, #tpu.memory_space<vmem>>)
    %dma_wait3A_73 = tpu.memref_slice %arg3[%mul3A_2] : memref<16384xi32, #tpu.memory_space<hbm>> -> memref<512xi32, #tpu.memory_space<hbm>>
    %dma_wait3A_74 = tpu.memref_slice %arg3[%mul3A_2] : memref<16384xi32, #tpu.memory_space<hbm>> -> memref<512xi32, #tpu.memory_space<hbm>>
    tpu.wait_dma2 semaphore(%arg10 : memref<!tpu.dma_semaphore, #tpu.memory_space<semaphore_mem>>) src(%dma_wait3A_74 : memref<512xi32, #tpu.memory_space<hbm>>) dst(%arg7 : memref<512xi32, #tpu.memory_space<vmem>>)
    %scan3A = arith.constant 0 : i32
    %scan3A_75 = arith.constant 0 : i32
    %scan3A_76 = arith.constant 32 : i32
    %scan3A_77 = arith.addi %scan3A_75, %scan3A_76 : i32
    %scan3A_78 = arith.constant 1 : i32
    scf.for %scan3A_708 = %scan3A_75 to %scan3A_77 step %scan3A_78  : i32 {
      %mul3A_709 = arith.constant 16 : i32
      %mul3A_710 = arith.muli %scan3A_708, %mul3A_709 : i32
      %get3A = arith.index_cast %mul3A_710 : i32 to index
      %get3A_711 = tpu.vector_load %arg7[%get3A] {strides = array<i32>} : memref<512xi32, #tpu.memory_space<vmem>>, vector<16xi32>,
      %get3A_712 = vector.shape_cast %get3A_711 : vector<16xi32> to vector<16xi32>
      %eq3A = arith.constant 1 : i32
      %eq3A_713 = vector.broadcast %eq3A : i32 to vector<16xi32>
      %eq3A_714 = arith.cmpi eq, %get3A_712, %eq3A_713 : vector<16xi32>
      %get3A_715 = arith.index_cast %mul3A_710 : i32 to index
      %get3A_716 = tpu.vector_load %arg6[%get3A_715] {strides = array<i32>} : memref<512xi32, #tpu.memory_space<vmem>>, vector<16xi32>,
      %get3A_717 = vector.shape_cast %get3A_716 : vector<16xi32> to vector<16xi32>
      %jit3A = arith.constant 1000 : i32
      %broadcast_in_dim3A = vector.broadcast %jit3A : i32 to vector<16xi32>
      %select_n3A = arith.select %eq3A_714, %broadcast_in_dim3A, %get3A_717 : vector<16xi1>, vector<16xi32>
      %swap3A = arith.index_cast %mul3A_710 : i32 to index
      %swap3A_718 = tpu.vector_load %arg6[%swap3A] {strides = array<i32>} : memref<512xi32, #tpu.memory_space<vmem>>, vector<16xi32>,
      %swap3A_719 = vector.shape_cast %swap3A_718 : vector<16xi32> to vector<16xi32>
      %swap3A_720 = vector.shape_cast %select_n3A : vector<16xi32> to vector<16xi32>
      tpu.vector_store %arg6[%swap3A], %swap3A_720 {strides = array<i32>} : memref<512xi32, #tpu.memory_space<vmem>>, vector<16xi32>,
    }
    %scan3A_79 = arith.constant 32 : i32
    %dma_wait3A_80 = arith.constant 0 : i32
    %dma_wait3A_81 = arith.constant 0 : i32
    %dma_wait3A_82 = tpu.memref_slice %arg8[%dma_wait3A_80, %dma_wait3A_81] : memref<512x128xf32, #tpu.memory_space<vmem>> -> memref<32x128xf32, #tpu.memory_space<vmem>>
    %dma_wait3A_83 = arith.constant 0 : i32
    %dma_wait3A_84 = tpu.memref_slice %arg9[%mul3A_4, %dma_wait3A_83] : memref<1024x128xf32, #tpu.memory_space<vmem_shared>> -> memref<32x128xf32, #tpu.memory_space<vmem_shared>>
    %dma_wait3A_85 = arith.constant 0 : i32
    %dma_wait3A_86 = tpu.memref_slice %arg9[%mul3A_4, %dma_wait3A_85] : memref<1024x128xf32, #tpu.memory_space<vmem_shared>> -> memref<32x128xf32, #tpu.memory_space<vmem_shared>>
    %dma_wait3A_87 = arith.constant 0 : i32
    %dma_wait3A_88 = arith.constant 0 : i32
    %dma_wait3A_89 = tpu.memref_slice %arg8[%dma_wait3A_87, %dma_wait3A_88] : memref<512x128xf32, #tpu.memory_space<vmem>> -> memref<32x128xf32, #tpu.memory_space<vmem>>
    tpu.wait_dma2 semaphore(%arg14 : memref<!tpu.dma_semaphore, #tpu.memory_space<semaphore_mem>>) src(%dma_wait3A_89 : memref<32x128xf32, #tpu.memory_space<vmem>>) dst(%dma_wait3A_86 : memref<32x128xf32, #tpu.memory_space<vmem_shared>>)
    %dma_wait3A_90 = arith.constant 32 : i32
    %dma_wait3A_91 = arith.constant 0 : i32
    %dma_wait3A_92 = tpu.memref_slice %arg8[%dma_wait3A_90, %dma_wait3A_91] : memref<512x128xf32, #tpu.memory_space<vmem>> -> memref<32x128xf32, #tpu.memory_space<vmem>>
    %dma_wait3A_93 = arith.constant 0 : i32
    %dma_wait3A_94 = tpu.memref_slice %arg9[%add3A_60, %dma_wait3A_93] : memref<1024x128xf32, #tpu.memory_space<vmem_shared>> -> memref<32x128xf32, #tpu.memory_space<vmem_shared>>
    %dma_wait3A_95 = arith.constant 0 : i32
    %dma_wait3A_96 = tpu.memref_slice %arg9[%add3A_60, %dma_wait3A_95] : memref<1024x128xf32, #tpu.memory_space<vmem_shared>> -> memref<32x128xf32, #tpu.memory_space<vmem_shared>>
    %dma_wait3A_97 = arith.constant 32 : i32
    %dma_wait3A_98 = arith.constant 0 : i32
    %dma_wait3A_99 = tpu.memref_slice %arg8[%dma_wait3A_97, %dma_wait3A_98] : memref<512x128xf32, #tpu.memory_space<vmem>> -> memref<32x128xf32, #tpu.memory_space<vmem>>
    tpu.wait_dma2 semaphore(%arg15 : memref<!tpu.dma_semaphore, #tpu.memory_space<semaphore_mem>>) src(%dma_wait3A_99 : memref<32x128xf32, #tpu.memory_space<vmem>>) dst(%dma_wait3A_96 : memref<32x128xf32, #tpu.memory_space<vmem_shared>>)
    %barrier3A = arith.constant 0 : index
    tpu.barrier barrier_id(%barrier3A)
    %dma_start3A_100 = arith.constant 0 : i32
    %dma_start3A_101 = arith.constant 0 : i32
    %dma_start3A_102 = tpu.memref_slice %arg8[%dma_start3A_100, %dma_start3A_101] : memref<512x128xf32, #tpu.memory_space<vmem>> -> memref<32x128xf32, #tpu.memory_space<vmem>>
    %dma_start3A_103 = arith.constant 0 : i32
    %dma_start3A_104 = tpu.memref_slice %arg6[%dma_start3A_103] : memref<512xi32, #tpu.memory_space<vmem>> -> memref<32xi32, #tpu.memory_space<vmem>>
    %dma_start3A_105 = arith.constant 0 : i32
    %dma_start3A_106 = arith.constant 0 : i32
    %dma_start3A_107 = tpu.memref_slice %arg9[%dma_start3A_105, %dma_start3A_106] : memref<1024x128xf32, #tpu.memory_space<vmem_shared>> -> memref<1024x128xf32, #tpu.memory_space<vmem_shared>>
    tpu.enqueue_indirect_dma source(%dma_start3A_107 : memref<1024x128xf32, #tpu.memory_space<vmem_shared>>) target(%dma_start3A_102 : memref<32x128xf32, #tpu.memory_space<vmem>>) offsets(%dma_start3A_104 : memref<32xi32, #tpu.memory_space<vmem>>) semaphore(%arg12 : memref<!tpu.dma_semaphore, #tpu.memory_space<semaphore_mem>>)
    %dma_start3A_108 = arith.constant 32 : i32
    %dma_start3A_109 = arith.constant 0 : i32
    %dma_start3A_110 = tpu.memref_slice %arg8[%dma_start3A_108, %dma_start3A_109] : memref<512x128xf32, #tpu.memory_space<vmem>> -> memref<32x128xf32, #tpu.memory_space<vmem>>
    %dma_start3A_111 = arith.constant 32 : i32
    %dma_start3A_112 = tpu.memref_slice %arg6[%dma_start3A_111] : memref<512xi32, #tpu.memory_space<vmem>> -> memref<32xi32, #tpu.memory_space<vmem>>
    %dma_start3A_113 = arith.constant 0 : i32
    %dma_start3A_114 = arith.constant 0 : i32
    %dma_start3A_115 = tpu.memref_slice %arg9[%dma_start3A_113, %dma_start3A_114] : memref<1024x128xf32, #tpu.memory_space<vmem_shared>> -> memref<1024x128xf32, #tpu.memory_space<vmem_shared>>
    tpu.enqueue_indirect_dma source(%dma_start3A_115 : memref<1024x128xf32, #tpu.memory_space<vmem_shared>>) target(%dma_start3A_110 : memref<32x128xf32, #tpu.memory_space<vmem>>) offsets(%dma_start3A_112 : memref<32xi32, #tpu.memory_space<vmem>>) semaphore(%arg13 : memref<!tpu.dma_semaphore, #tpu.memory_space<semaphore_mem>>)
    %dma_start3A_116 = arith.constant 64 : i32
    %dma_start3A_117 = arith.constant 0 : i32
    %dma_start3A_118 = tpu.memref_slice %arg8[%dma_start3A_116, %dma_start3A_117] : memref<512x128xf32, #tpu.memory_space<vmem>> -> memref<32x128xf32, #tpu.memory_space<vmem>>
    %dma_start3A_119 = arith.constant 64 : i32
    %dma_start3A_120 = tpu.memref_slice %arg6[%dma_start3A_119] : memref<512xi32, #tpu.memory_space<vmem>> -> memref<32xi32, #tpu.memory_space<vmem>>
    %dma_start3A_121 = arith.constant 0 : i32
    %dma_start3A_122 = arith.constant 0 : i32
    %dma_start3A_123 = tpu.memref_slice %arg9[%dma_start3A_121, %dma_start3A_122] : memref<1024x128xf32, #tpu.memory_space<vmem_shared>> -> memref<1024x128xf32, #tpu.memory_space<vmem_shared>>
    tpu.enqueue_indirect_dma source(%dma_start3A_123 : memref<1024x128xf32, #tpu.memory_space<vmem_shared>>) target(%dma_start3A_118 : memref<32x128xf32, #tpu.memory_space<vmem>>) offsets(%dma_start3A_120 : memref<32xi32, #tpu.memory_space<vmem>>) semaphore(%arg14 : memref<!tpu.dma_semaphore, #tpu.memory_space<semaphore_mem>>)
    %dma_start3A_124 = arith.constant 96 : i32
    %dma_start3A_125 = arith.constant 0 : i32
    %dma_start3A_126 = tpu.memref_slice %arg8[%dma_start3A_124, %dma_start3A_125] : memref<512x128xf32, #tpu.memory_space<vmem>> -> memref<32x128xf32, #tpu.memory_space<vmem>>
    %dma_start3A_127 = arith.constant 96 : i32
    %dma_start3A_128 = tpu.memref_slice %arg6[%dma_start3A_127] : memref<512xi32, #tpu.memory_space<vmem>> -> memref<32xi32, #tpu.memory_space<vmem>>
    %dma_start3A_129 = arith.constant 0 : i32
    %dma_start3A_130 = arith.constant 0 : i32
    %dma_start3A_131 = tpu.memref_slice %arg9[%dma_start3A_129, %dma_start3A_130] : memref<1024x128xf32, #tpu.memory_space<vmem_shared>> -> memref<1024x128xf32, #tpu.memory_space<vmem_shared>>
    tpu.enqueue_indirect_dma source(%dma_start3A_131 : memref<1024x128xf32, #tpu.memory_space<vmem_shared>>) target(%dma_start3A_126 : memref<32x128xf32, #tpu.memory_space<vmem>>) offsets(%dma_start3A_128 : memref<32xi32, #tpu.memory_space<vmem>>) semaphore(%arg15 : memref<!tpu.dma_semaphore, #tpu.memory_space<semaphore_mem>>)
    %dma_start3A_132 = arith.constant 128 : i32
    %dma_start3A_133 = arith.constant 0 : i32
    %dma_start3A_134 = tpu.memref_slice %arg8[%dma_start3A_132, %dma_start3A_133] : memref<512x128xf32, #tpu.memory_space<vmem>> -> memref<32x128xf32, #tpu.memory_space<vmem>>
    %dma_start3A_135 = arith.constant 128 : i32
    %dma_start3A_136 = tpu.memref_slice %arg6[%dma_start3A_135] : memref<512xi32, #tpu.memory_space<vmem>> -> memref<32xi32, #tpu.memory_space<vmem>>
    %dma_start3A_137 = arith.constant 0 : i32
    %dma_start3A_138 = arith.constant 0 : i32
    %dma_start3A_139 = tpu.memref_slice %arg9[%dma_start3A_137, %dma_start3A_138] : memref<1024x128xf32, #tpu.memory_space<vmem_shared>> -> memref<1024x128xf32, #tpu.memory_space<vmem_shared>>
    tpu.enqueue_indirect_dma source(%dma_start3A_139 : memref<1024x128xf32, #tpu.memory_space<vmem_shared>>) target(%dma_start3A_134 : memref<32x128xf32, #tpu.memory_space<vmem>>) offsets(%dma_start3A_136 : memref<32xi32, #tpu.memory_space<vmem>>) semaphore(%arg16 : memref<!tpu.dma_semaphore, #tpu.memory_space<semaphore_mem>>)
    %dma_start3A_140 = arith.constant 160 : i32
    %dma_start3A_141 = arith.constant 0 : i32
    %dma_start3A_142 = tpu.memref_slice %arg8[%dma_start3A_140, %dma_start3A_141] : memref<512x128xf32, #tpu.memory_space<vmem>> -> memref<32x128xf32, #tpu.memory_space<vmem>>
    %dma_start3A_143 = arith.constant 160 : i32
    %dma_start3A_144 = tpu.memref_slice %arg6[%dma_start3A_143] : memref<512xi32, #tpu.memory_space<vmem>> -> memref<32xi32, #tpu.memory_space<vmem>>
    %dma_start3A_145 = arith.constant 0 : i32
    %dma_start3A_146 = arith.constant 0 : i32
    %dma_start3A_147 = tpu.memref_slice %arg9[%dma_start3A_145, %dma_start3A_146] : memref<1024x128xf32, #tpu.memory_space<vmem_shared>> -> memref<1024x128xf32, #tpu.memory_space<vmem_shared>>
    tpu.enqueue_indirect_dma source(%dma_start3A_147 : memref<1024x128xf32, #tpu.memory_space<vmem_shared>>) target(%dma_start3A_142 : memref<32x128xf32, #tpu.memory_space<vmem>>) offsets(%dma_start3A_144 : memref<32xi32, #tpu.memory_space<vmem>>) semaphore(%arg17 : memref<!tpu.dma_semaphore, #tpu.memory_space<semaphore_mem>>)
    %dma_start3A_148 = arith.constant 192 : i32
    %dma_start3A_149 = arith.constant 0 : i32
    %dma_start3A_150 = tpu.memref_slice %arg8[%dma_start3A_148, %dma_start3A_149] : memref<512x128xf32, #tpu.memory_space<vmem>> -> memref<32x128xf32, #tpu.memory_space<vmem>>
    %dma_start3A_151 = arith.constant 192 : i32
    %dma_start3A_152 = tpu.memref_slice %arg6[%dma_start3A_151] : memref<512xi32, #tpu.memory_space<vmem>> -> memref<32xi32, #tpu.memory_space<vmem>>
    %dma_start3A_153 = arith.constant 0 : i32
    %dma_start3A_154 = arith.constant 0 : i32
    %dma_start3A_155 = tpu.memref_slice %arg9[%dma_start3A_153, %dma_start3A_154] : memref<1024x128xf32, #tpu.memory_space<vmem_shared>> -> memref<1024x128xf32, #tpu.memory_space<vmem_shared>>
    tpu.enqueue_indirect_dma source(%dma_start3A_155 : memref<1024x128xf32, #tpu.memory_space<vmem_shared>>) target(%dma_start3A_150 : memref<32x128xf32, #tpu.memory_space<vmem>>) offsets(%dma_start3A_152 : memref<32xi32, #tpu.memory_space<vmem>>) semaphore(%arg18 : memref<!tpu.dma_semaphore, #tpu.memory_space<semaphore_mem>>)
    %dma_start3A_156 = arith.constant 224 : i32
    %dma_start3A_157 = arith.constant 0 : i32
    %dma_start3A_158 = tpu.memref_slice %arg8[%dma_start3A_156, %dma_start3A_157] : memref<512x128xf32, #tpu.memory_space<vmem>> -> memref<32x128xf32, #tpu.memory_space<vmem>>
    %dma_start3A_159 = arith.constant 224 : i32
    %dma_start3A_160 = tpu.memref_slice %arg6[%dma_start3A_159] : memref<512xi32, #tpu.memory_space<vmem>> -> memref<32xi32, #tpu.memory_space<vmem>>
    %dma_start3A_161 = arith.constant 0 : i32
    %dma_start3A_162 = arith.constant 0 : i32
    %dma_start3A_163 = tpu.memref_slice %arg9[%dma_start3A_161, %dma_start3A_162] : memref<1024x128xf32, #tpu.memory_space<vmem_shared>> -> memref<1024x128xf32, #tpu.memory_space<vmem_shared>>
    tpu.enqueue_indirect_dma source(%dma_start3A_163 : memref<1024x128xf32, #tpu.memory_space<vmem_shared>>) target(%dma_start3A_158 : memref<32x128xf32, #tpu.memory_space<vmem>>) offsets(%dma_start3A_160 : memref<32xi32, #tpu.memory_space<vmem>>) semaphore(%arg19 : memref<!tpu.dma_semaphore, #tpu.memory_space<semaphore_mem>>)
    %dma_start3A_164 = arith.constant 256 : i32
    %dma_start3A_165 = arith.constant 0 : i32
    %dma_start3A_166 = tpu.memref_slice %arg8[%dma_start3A_164, %dma_start3A_165] : memref<512x128xf32, #tpu.memory_space<vmem>> -> memref<32x128xf32, #tpu.memory_space<vmem>>
    %dma_start3A_167 = arith.constant 256 : i32
    %dma_start3A_168 = tpu.memref_slice %arg6[%dma_start3A_167] : memref<512xi32, #tpu.memory_space<vmem>> -> memref<32xi32, #tpu.memory_space<vmem>>
    %dma_start3A_169 = arith.constant 0 : i32
    %dma_start3A_170 = arith.constant 0 : i32
    %dma_start3A_171 = tpu.memref_slice %arg9[%dma_start3A_169, %dma_start3A_170] : memref<1024x128xf32, #tpu.memory_space<vmem_shared>> -> memref<1024x128xf32, #tpu.memory_space<vmem_shared>>
    tpu.enqueue_indirect_dma source(%dma_start3A_171 : memref<1024x128xf32, #tpu.memory_space<vmem_shared>>) target(%dma_start3A_166 : memref<32x128xf32, #tpu.memory_space<vmem>>) offsets(%dma_start3A_168 : memref<32xi32, #tpu.memory_space<vmem>>) semaphore(%arg20 : memref<!tpu.dma_semaphore, #tpu.memory_space<semaphore_mem>>)
    %dma_start3A_172 = arith.constant 288 : i32
    %dma_start3A_173 = arith.constant 0 : i32
    %dma_start3A_174 = tpu.memref_slice %arg8[%dma_start3A_172, %dma_start3A_173] : memref<512x128xf32, #tpu.memory_space<vmem>> -> memref<32x128xf32, #tpu.memory_space<vmem>>
    %dma_start3A_175 = arith.constant 288 : i32
    %dma_start3A_176 = tpu.memref_slice %arg6[%dma_start3A_175] : memref<512xi32, #tpu.memory_space<vmem>> -> memref<32xi32, #tpu.memory_space<vmem>>
    %dma_start3A_177 = arith.constant 0 : i32
    %dma_start3A_178 = arith.constant 0 : i32
    %dma_start3A_179 = tpu.memref_slice %arg9[%dma_start3A_177, %dma_start3A_178] : memref<1024x128xf32, #tpu.memory_space<vmem_shared>> -> memref<1024x128xf32, #tpu.memory_space<vmem_shared>>
    tpu.enqueue_indirect_dma source(%dma_start3A_179 : memref<1024x128xf32, #tpu.memory_space<vmem_shared>>) target(%dma_start3A_174 : memref<32x128xf32, #tpu.memory_space<vmem>>) offsets(%dma_start3A_176 : memref<32xi32, #tpu.memory_space<vmem>>) semaphore(%arg21 : memref<!tpu.dma_semaphore, #tpu.memory_space<semaphore_mem>>)
    %dma_start3A_180 = arith.constant 320 : i32
    %dma_start3A_181 = arith.constant 0 : i32
    %dma_start3A_182 = tpu.memref_slice %arg8[%dma_start3A_180, %dma_start3A_181] : memref<512x128xf32, #tpu.memory_space<vmem>> -> memref<32x128xf32, #tpu.memory_space<vmem>>
    %dma_start3A_183 = arith.constant 320 : i32
    %dma_start3A_184 = tpu.memref_slice %arg6[%dma_start3A_183] : memref<512xi32, #tpu.memory_space<vmem>> -> memref<32xi32, #tpu.memory_space<vmem>>
    %dma_start3A_185 = arith.constant 0 : i32
    %dma_start3A_186 = arith.constant 0 : i32
    %dma_start3A_187 = tpu.memref_slice %arg9[%dma_start3A_185, %dma_start3A_186] : memref<1024x128xf32, #tpu.memory_space<vmem_shared>> -> memref<1024x128xf32, #tpu.memory_space<vmem_shared>>
    tpu.enqueue_indirect_dma source(%dma_start3A_187 : memref<1024x128xf32, #tpu.memory_space<vmem_shared>>) target(%dma_start3A_182 : memref<32x128xf32, #tpu.memory_space<vmem>>) offsets(%dma_start3A_184 : memref<32xi32, #tpu.memory_space<vmem>>) semaphore(%arg22 : memref<!tpu.dma_semaphore, #tpu.memory_space<semaphore_mem>>)
    %dma_start3A_188 = arith.constant 352 : i32
    %dma_start3A_189 = arith.constant 0 : i32
    %dma_start3A_190 = tpu.memref_slice %arg8[%dma_start3A_188, %dma_start3A_189] : memref<512x128xf32, #tpu.memory_space<vmem>> -> memref<32x128xf32, #tpu.memory_space<vmem>>
    %dma_start3A_191 = arith.constant 352 : i32
    %dma_start3A_192 = tpu.memref_slice %arg6[%dma_start3A_191] : memref<512xi32, #tpu.memory_space<vmem>> -> memref<32xi32, #tpu.memory_space<vmem>>
    %dma_start3A_193 = arith.constant 0 : i32
    %dma_start3A_194 = arith.constant 0 : i32
    %dma_start3A_195 = tpu.memref_slice %arg9[%dma_start3A_193, %dma_start3A_194] : memref<1024x128xf32, #tpu.memory_space<vmem_shared>> -> memref<1024x128xf32, #tpu.memory_space<vmem_shared>>
    tpu.enqueue_indirect_dma source(%dma_start3A_195 : memref<1024x128xf32, #tpu.memory_space<vmem_shared>>) target(%dma_start3A_190 : memref<32x128xf32, #tpu.memory_space<vmem>>) offsets(%dma_start3A_192 : memref<32xi32, #tpu.memory_space<vmem>>) semaphore(%arg23 : memref<!tpu.dma_semaphore, #tpu.memory_space<semaphore_mem>>)
    %dma_start3A_196 = arith.constant 384 : i32
    %dma_start3A_197 = arith.constant 0 : i32
    %dma_start3A_198 = tpu.memref_slice %arg8[%dma_start3A_196, %dma_start3A_197] : memref<512x128xf32, #tpu.memory_space<vmem>> -> memref<32x128xf32, #tpu.memory_space<vmem>>
    %dma_start3A_199 = arith.constant 384 : i32
    %dma_start3A_200 = tpu.memref_slice %arg6[%dma_start3A_199] : memref<512xi32, #tpu.memory_space<vmem>> -> memref<32xi32, #tpu.memory_space<vmem>>
    %dma_start3A_201 = arith.constant 0 : i32
    %dma_start3A_202 = arith.constant 0 : i32
    %dma_start3A_203 = tpu.memref_slice %arg9[%dma_start3A_201, %dma_start3A_202] : memref<1024x128xf32, #tpu.memory_space<vmem_shared>> -> memref<1024x128xf32, #tpu.memory_space<vmem_shared>>
    tpu.enqueue_indirect_dma source(%dma_start3A_203 : memref<1024x128xf32, #tpu.memory_space<vmem_shared>>) target(%dma_start3A_198 : memref<32x128xf32, #tpu.memory_space<vmem>>) offsets(%dma_start3A_200 : memref<32xi32, #tpu.memory_space<vmem>>) semaphore(%arg24 : memref<!tpu.dma_semaphore, #tpu.memory_space<semaphore_mem>>)
    %dma_start3A_204 = arith.constant 416 : i32
    %dma_start3A_205 = arith.constant 0 : i32
    %dma_start3A_206 = tpu.memref_slice %arg8[%dma_start3A_204, %dma_start3A_205] : memref<512x128xf32, #tpu.memory_space<vmem>> -> memref<32x128xf32, #tpu.memory_space<vmem>>
    %dma_start3A_207 = arith.constant 416 : i32
    %dma_start3A_208 = tpu.memref_slice %arg6[%dma_start3A_207] : memref<512xi32, #tpu.memory_space<vmem>> -> memref<32xi32, #tpu.memory_space<vmem>>
    %dma_start3A_209 = arith.constant 0 : i32
    %dma_start3A_210 = arith.constant 0 : i32
    %dma_start3A_211 = tpu.memref_slice %arg9[%dma_start3A_209, %dma_start3A_210] : memref<1024x128xf32, #tpu.memory_space<vmem_shared>> -> memref<1024x128xf32, #tpu.memory_space<vmem_shared>>
    tpu.enqueue_indirect_dma source(%dma_start3A_211 : memref<1024x128xf32, #tpu.memory_space<vmem_shared>>) target(%dma_start3A_206 : memref<32x128xf32, #tpu.memory_space<vmem>>) offsets(%dma_start3A_208 : memref<32xi32, #tpu.memory_space<vmem>>) semaphore(%arg25 : memref<!tpu.dma_semaphore, #tpu.memory_space<semaphore_mem>>)
    %dma_start3A_212 = arith.constant 448 : i32
    %dma_start3A_213 = arith.constant 0 : i32
    %dma_start3A_214 = tpu.memref_slice %arg8[%dma_start3A_212, %dma_start3A_213] : memref<512x128xf32, #tpu.memory_space<vmem>> -> memref<32x128xf32, #tpu.memory_space<vmem>>
    %dma_start3A_215 = arith.constant 448 : i32
    %dma_start3A_216 = tpu.memref_slice %arg6[%dma_start3A_215] : memref<512xi32, #tpu.memory_space<vmem>> -> memref<32xi32, #tpu.memory_space<vmem>>
    %dma_start3A_217 = arith.constant 0 : i32
    %dma_start3A_218 = arith.constant 0 : i32
    %dma_start3A_219 = tpu.memref_slice %arg9[%dma_start3A_217, %dma_start3A_218] : memref<1024x128xf32, #tpu.memory_space<vmem_shared>> -> memref<1024x128xf32, #tpu.memory_space<vmem_shared>>
    tpu.enqueue_indirect_dma source(%dma_start3A_219 : memref<1024x128xf32, #tpu.memory_space<vmem_shared>>) target(%dma_start3A_214 : memref<32x128xf32, #tpu.memory_space<vmem>>) offsets(%dma_start3A_216 : memref<32xi32, #tpu.memory_space<vmem>>) semaphore(%arg26 : memref<!tpu.dma_semaphore, #tpu.memory_space<semaphore_mem>>)
    %dma_start3A_220 = arith.constant 480 : i32
    %dma_start3A_221 = arith.constant 0 : i32
    %dma_start3A_222 = tpu.memref_slice %arg8[%dma_start3A_220, %dma_start3A_221] : memref<512x128xf32, #tpu.memory_space<vmem>> -> memref<32x128xf32, #tpu.memory_space<vmem>>
    %dma_start3A_223 = arith.constant 480 : i32
    %dma_start3A_224 = tpu.memref_slice %arg6[%dma_start3A_223] : memref<512xi32, #tpu.memory_space<vmem>> -> memref<32xi32, #tpu.memory_space<vmem>>
    %dma_start3A_225 = arith.constant 0 : i32
    %dma_start3A_226 = arith.constant 0 : i32
    %dma_start3A_227 = tpu.memref_slice %arg9[%dma_start3A_225, %dma_start3A_226] : memref<1024x128xf32, #tpu.memory_space<vmem_shared>> -> memref<1024x128xf32, #tpu.memory_space<vmem_shared>>
    tpu.enqueue_indirect_dma source(%dma_start3A_227 : memref<1024x128xf32, #tpu.memory_space<vmem_shared>>) target(%dma_start3A_222 : memref<32x128xf32, #tpu.memory_space<vmem>>) offsets(%dma_start3A_224 : memref<32xi32, #tpu.memory_space<vmem>>) semaphore(%arg27 : memref<!tpu.dma_semaphore, #tpu.memory_space<semaphore_mem>>)
    %dma_wait3A_228 = arith.constant 0 : i32
    %dma_wait3A_229 = arith.constant 0 : i32
    %dma_wait3A_230 = tpu.memref_slice %arg8[%dma_wait3A_228, %dma_wait3A_229] : memref<512x128xf32, #tpu.memory_space<vmem>> -> memref<32x128xf32, #tpu.memory_space<vmem>>
    %dma_wait3A_231 = arith.constant 0 : i32
    %dma_wait3A_232 = tpu.memref_slice %arg6[%dma_wait3A_231] : memref<512xi32, #tpu.memory_space<vmem>> -> memref<32xi32, #tpu.memory_space<vmem>>
    %dma_wait3A_233 = arith.constant 0 : i32
    %dma_wait3A_234 = arith.constant 0 : i32
    %dma_wait3A_235 = tpu.memref_slice %arg9[%dma_wait3A_233, %dma_wait3A_234] : memref<1024x128xf32, #tpu.memory_space<vmem_shared>> -> memref<1024x128xf32, #tpu.memory_space<vmem_shared>>
    tpu.wait_indirect_dma semaphore(%arg12 : memref<!tpu.dma_semaphore, #tpu.memory_space<semaphore_mem>>) src(%dma_wait3A_235 : memref<1024x128xf32, #tpu.memory_space<vmem_shared>>) dst(%dma_wait3A_230 : memref<32x128xf32, #tpu.memory_space<vmem>>)
    %add3A_236 = arith.constant 0 : i32
    %add3A_237 = arith.addi %mul3A_2, %add3A_236 : i32
    %dma_start3A_238 = arith.constant 0 : i32
    %dma_start3A_239 = arith.constant 0 : i32
    %dma_start3A_240 = tpu.memref_slice %arg8[%dma_start3A_238, %dma_start3A_239] : memref<512x128xf32, #tpu.memory_space<vmem>> -> memref<32x128xf32, #tpu.memory_space<vmem>>
    %dma_start3A_241 = arith.constant 0 : i32
    %dma_start3A_242 = tpu.memref_slice %arg5[%add3A_237, %dma_start3A_241] : memref<16384x128xf32, #tpu.memory_space<hbm>> -> memref<32x128xf32, #tpu.memory_space<hbm>>
    %dma_start3A_243 = arith.constant 0 : i32
    %dma_start3A_244 = tpu.memref_slice %arg5[%add3A_237, %dma_start3A_243] : memref<16384x128xf32, #tpu.memory_space<hbm>> -> memref<32x128xf32, #tpu.memory_space<hbm>>
    %dma_start3A_245 = arith.constant 0 : i32
    %dma_start3A_246 = arith.constant 0 : i32
    %dma_start3A_247 = tpu.memref_slice %arg8[%dma_start3A_245, %dma_start3A_246] : memref<512x128xf32, #tpu.memory_space<vmem>> -> memref<32x128xf32, #tpu.memory_space<vmem>>
    tpu.enqueue_dma source(%dma_start3A_247 : memref<32x128xf32, #tpu.memory_space<vmem>>) target(%dma_start3A_244 : memref<32x128xf32, #tpu.memory_space<hbm>>) target_semaphore(%arg11 : memref<!tpu.dma_semaphore, #tpu.memory_space<semaphore_mem>>)
    %dma_wait3A_248 = arith.constant 32 : i32
    %dma_wait3A_249 = arith.constant 0 : i32
    %dma_wait3A_250 = tpu.memref_slice %arg8[%dma_wait3A_248, %dma_wait3A_249] : memref<512x128xf32, #tpu.memory_space<vmem>> -> memref<32x128xf32, #tpu.memory_space<vmem>>
    %dma_wait3A_251 = arith.constant 32 : i32
    %dma_wait3A_252 = tpu.memref_slice %arg6[%dma_wait3A_251] : memref<512xi32, #tpu.memory_space<vmem>> -> memref<32xi32, #tpu.memory_space<vmem>>
    %dma_wait3A_253 = arith.constant 0 : i32
    %dma_wait3A_254 = arith.constant 0 : i32
    %dma_wait3A_255 = tpu.memref_slice %arg9[%dma_wait3A_253, %dma_wait3A_254] : memref<1024x128xf32, #tpu.memory_space<vmem_shared>> -> memref<1024x128xf32, #tpu.memory_space<vmem_shared>>
    tpu.wait_indirect_dma semaphore(%arg13 : memref<!tpu.dma_semaphore, #tpu.memory_space<semaphore_mem>>) src(%dma_wait3A_255 : memref<1024x128xf32, #tpu.memory_space<vmem_shared>>) dst(%dma_wait3A_250 : memref<32x128xf32, #tpu.memory_space<vmem>>)
    %add3A_256 = arith.constant 32 : i32
    %add3A_257 = arith.addi %mul3A_2, %add3A_256 : i32
    %dma_start3A_258 = arith.constant 32 : i32
    %dma_start3A_259 = arith.constant 0 : i32
    %dma_start3A_260 = tpu.memref_slice %arg8[%dma_start3A_258, %dma_start3A_259] : memref<512x128xf32, #tpu.memory_space<vmem>> -> memref<32x128xf32, #tpu.memory_space<vmem>>
    %dma_start3A_261 = arith.constant 0 : i32
    %dma_start3A_262 = tpu.memref_slice %arg5[%add3A_257, %dma_start3A_261] : memref<16384x128xf32, #tpu.memory_space<hbm>> -> memref<32x128xf32, #tpu.memory_space<hbm>>
    %dma_start3A_263 = arith.constant 0 : i32
    %dma_start3A_264 = tpu.memref_slice %arg5[%add3A_257, %dma_start3A_263] : memref<16384x128xf32, #tpu.memory_space<hbm>> -> memref<32x128xf32, #tpu.memory_space<hbm>>
    %dma_start3A_265 = arith.constant 32 : i32
    %dma_start3A_266 = arith.constant 0 : i32
    %dma_start3A_267 = tpu.memref_slice %arg8[%dma_start3A_265, %dma_start3A_266] : memref<512x128xf32, #tpu.memory_space<vmem>> -> memref<32x128xf32, #tpu.memory_space<vmem>>
    tpu.enqueue_dma source(%dma_start3A_267 : memref<32x128xf32, #tpu.memory_space<vmem>>) target(%dma_start3A_264 : memref<32x128xf32, #tpu.memory_space<hbm>>) target_semaphore(%arg11 : memref<!tpu.dma_semaphore, #tpu.memory_space<semaphore_mem>>)
    %dma_wait3A_268 = arith.constant 64 : i32
    %dma_wait3A_269 = arith.constant 0 : i32
    %dma_wait3A_270 = tpu.memref_slice %arg8[%dma_wait3A_268, %dma_wait3A_269] : memref<512x128xf32, #tpu.memory_space<vmem>> -> memref<32x128xf32, #tpu.memory_space<vmem>>
    %dma_wait3A_271 = arith.constant 64 : i32
    %dma_wait3A_272 = tpu.memref_slice %arg6[%dma_wait3A_271] : memref<512xi32, #tpu.memory_space<vmem>> -> memref<32xi32, #tpu.memory_space<vmem>>
    %dma_wait3A_273 = arith.constant 0 : i32
    %dma_wait3A_274 = arith.constant 0 : i32
    %dma_wait3A_275 = tpu.memref_slice %arg9[%dma_wait3A_273, %dma_wait3A_274] : memref<1024x128xf32, #tpu.memory_space<vmem_shared>> -> memref<1024x128xf32, #tpu.memory_space<vmem_shared>>
    tpu.wait_indirect_dma semaphore(%arg14 : memref<!tpu.dma_semaphore, #tpu.memory_space<semaphore_mem>>) src(%dma_wait3A_275 : memref<1024x128xf32, #tpu.memory_space<vmem_shared>>) dst(%dma_wait3A_270 : memref<32x128xf32, #tpu.memory_space<vmem>>)
    %add3A_276 = arith.constant 64 : i32
    %add3A_277 = arith.addi %mul3A_2, %add3A_276 : i32
    %dma_start3A_278 = arith.constant 64 : i32
    %dma_start3A_279 = arith.constant 0 : i32
    %dma_start3A_280 = tpu.memref_slice %arg8[%dma_start3A_278, %dma_start3A_279] : memref<512x128xf32, #tpu.memory_space<vmem>> -> memref<32x128xf32, #tpu.memory_space<vmem>>
    %dma_start3A_281 = arith.constant 0 : i32
    %dma_start3A_282 = tpu.memref_slice %arg5[%add3A_277, %dma_start3A_281] : memref<16384x128xf32, #tpu.memory_space<hbm>> -> memref<32x128xf32, #tpu.memory_space<hbm>>
    %dma_start3A_283 = arith.constant 0 : i32
    %dma_start3A_284 = tpu.memref_slice %arg5[%add3A_277, %dma_start3A_283] : memref<16384x128xf32, #tpu.memory_space<hbm>> -> memref<32x128xf32, #tpu.memory_space<hbm>>
    %dma_start3A_285 = arith.constant 64 : i32
    %dma_start3A_286 = arith.constant 0 : i32
    %dma_start3A_287 = tpu.memref_slice %arg8[%dma_start3A_285, %dma_start3A_286] : memref<512x128xf32, #tpu.memory_space<vmem>> -> memref<32x128xf32, #tpu.memory_space<vmem>>
    tpu.enqueue_dma source(%dma_start3A_287 : memref<32x128xf32, #tpu.memory_space<vmem>>) target(%dma_start3A_284 : memref<32x128xf32, #tpu.memory_space<hbm>>) target_semaphore(%arg11 : memref<!tpu.dma_semaphore, #tpu.memory_space<semaphore_mem>>)
    %dma_wait3A_288 = arith.constant 96 : i32
    %dma_wait3A_289 = arith.constant 0 : i32
    %dma_wait3A_290 = tpu.memref_slice %arg8[%dma_wait3A_288, %dma_wait3A_289] : memref<512x128xf32, #tpu.memory_space<vmem>> -> memref<32x128xf32, #tpu.memory_space<vmem>>
    %dma_wait3A_291 = arith.constant 96 : i32
    %dma_wait3A_292 = tpu.memref_slice %arg6[%dma_wait3A_291] : memref<512xi32, #tpu.memory_space<vmem>> -> memref<32xi32, #tpu.memory_space<vmem>>
    %dma_wait3A_293 = arith.constant 0 : i32
    %dma_wait3A_294 = arith.constant 0 : i32
    %dma_wait3A_295 = tpu.memref_slice %arg9[%dma_wait3A_293, %dma_wait3A_294] : memref<1024x128xf32, #tpu.memory_space<vmem_shared>> -> memref<1024x128xf32, #tpu.memory_space<vmem_shared>>
    tpu.wait_indirect_dma semaphore(%arg15 : memref<!tpu.dma_semaphore, #tpu.memory_space<semaphore_mem>>) src(%dma_wait3A_295 : memref<1024x128xf32, #tpu.memory_space<vmem_shared>>) dst(%dma_wait3A_290 : memref<32x128xf32, #tpu.memory_space<vmem>>)
    %add3A_296 = arith.constant 96 : i32
    %add3A_297 = arith.addi %mul3A_2, %add3A_296 : i32
    %dma_start3A_298 = arith.constant 96 : i32
    %dma_start3A_299 = arith.constant 0 : i32
    %dma_start3A_300 = tpu.memref_slice %arg8[%dma_start3A_298, %dma_start3A_299] : memref<512x128xf32, #tpu.memory_space<vmem>> -> memref<32x128xf32, #tpu.memory_space<vmem>>
    %dma_start3A_301 = arith.constant 0 : i32
    %dma_start3A_302 = tpu.memref_slice %arg5[%add3A_297, %dma_start3A_301] : memref<16384x128xf32, #tpu.memory_space<hbm>> -> memref<32x128xf32, #tpu.memory_space<hbm>>
    %dma_start3A_303 = arith.constant 0 : i32
    %dma_start3A_304 = tpu.memref_slice %arg5[%add3A_297, %dma_start3A_303] : memref<16384x128xf32, #tpu.memory_space<hbm>> -> memref<32x128xf32, #tpu.memory_space<hbm>>
    %dma_start3A_305 = arith.constant 96 : i32
    %dma_start3A_306 = arith.constant 0 : i32
    %dma_start3A_307 = tpu.memref_slice %arg8[%dma_start3A_305, %dma_start3A_306] : memref<512x128xf32, #tpu.memory_space<vmem>> -> memref<32x128xf32, #tpu.memory_space<vmem>>
    tpu.enqueue_dma source(%dma_start3A_307 : memref<32x128xf32, #tpu.memory_space<vmem>>) target(%dma_start3A_304 : memref<32x128xf32, #tpu.memory_space<hbm>>) target_semaphore(%arg11 : memref<!tpu.dma_semaphore, #tpu.memory_space<semaphore_mem>>)
    %dma_wait3A_308 = arith.constant 128 : i32
    %dma_wait3A_309 = arith.constant 0 : i32
    %dma_wait3A_310 = tpu.memref_slice %arg8[%dma_wait3A_308, %dma_wait3A_309] : memref<512x128xf32, #tpu.memory_space<vmem>> -> memref<32x128xf32, #tpu.memory_space<vmem>>
    %dma_wait3A_311 = arith.constant 128 : i32
    %dma_wait3A_312 = tpu.memref_slice %arg6[%dma_wait3A_311] : memref<512xi32, #tpu.memory_space<vmem>> -> memref<32xi32, #tpu.memory_space<vmem>>
    %dma_wait3A_313 = arith.constant 0 : i32
    %dma_wait3A_314 = arith.constant 0 : i32
    %dma_wait3A_315 = tpu.memref_slice %arg9[%dma_wait3A_313, %dma_wait3A_314] : memref<1024x128xf32, #tpu.memory_space<vmem_shared>> -> memref<1024x128xf32, #tpu.memory_space<vmem_shared>>
    tpu.wait_indirect_dma semaphore(%arg16 : memref<!tpu.dma_semaphore, #tpu.memory_space<semaphore_mem>>) src(%dma_wait3A_315 : memref<1024x128xf32, #tpu.memory_space<vmem_shared>>) dst(%dma_wait3A_310 : memref<32x128xf32, #tpu.memory_space<vmem>>)
    %add3A_316 = arith.constant 128 : i32
    %add3A_317 = arith.addi %mul3A_2, %add3A_316 : i32
    %dma_start3A_318 = arith.constant 128 : i32
    %dma_start3A_319 = arith.constant 0 : i32
    %dma_start3A_320 = tpu.memref_slice %arg8[%dma_start3A_318, %dma_start3A_319] : memref<512x128xf32, #tpu.memory_space<vmem>> -> memref<32x128xf32, #tpu.memory_space<vmem>>
    %dma_start3A_321 = arith.constant 0 : i32
    %dma_start3A_322 = tpu.memref_slice %arg5[%add3A_317, %dma_start3A_321] : memref<16384x128xf32, #tpu.memory_space<hbm>> -> memref<32x128xf32, #tpu.memory_space<hbm>>
    %dma_start3A_323 = arith.constant 0 : i32
    %dma_start3A_324 = tpu.memref_slice %arg5[%add3A_317, %dma_start3A_323] : memref<16384x128xf32, #tpu.memory_space<hbm>> -> memref<32x128xf32, #tpu.memory_space<hbm>>
    %dma_start3A_325 = arith.constant 128 : i32
    %dma_start3A_326 = arith.constant 0 : i32
    %dma_start3A_327 = tpu.memref_slice %arg8[%dma_start3A_325, %dma_start3A_326] : memref<512x128xf32, #tpu.memory_space<vmem>> -> memref<32x128xf32, #tpu.memory_space<vmem>>
    tpu.enqueue_dma source(%dma_start3A_327 : memref<32x128xf32, #tpu.memory_space<vmem>>) target(%dma_start3A_324 : memref<32x128xf32, #tpu.memory_space<hbm>>) target_semaphore(%arg11 : memref<!tpu.dma_semaphore, #tpu.memory_space<semaphore_mem>>)
    %dma_wait3A_328 = arith.constant 160 : i32
    %dma_wait3A_329 = arith.constant 0 : i32
    %dma_wait3A_330 = tpu.memref_slice %arg8[%dma_wait3A_328, %dma_wait3A_329] : memref<512x128xf32, #tpu.memory_space<vmem>> -> memref<32x128xf32, #tpu.memory_space<vmem>>
    %dma_wait3A_331 = arith.constant 160 : i32
    %dma_wait3A_332 = tpu.memref_slice %arg6[%dma_wait3A_331] : memref<512xi32, #tpu.memory_space<vmem>> -> memref<32xi32, #tpu.memory_space<vmem>>
    %dma_wait3A_333 = arith.constant 0 : i32
    %dma_wait3A_334 = arith.constant 0 : i32
    %dma_wait3A_335 = tpu.memref_slice %arg9[%dma_wait3A_333, %dma_wait3A_334] : memref<1024x128xf32, #tpu.memory_space<vmem_shared>> -> memref<1024x128xf32, #tpu.memory_space<vmem_shared>>
    tpu.wait_indirect_dma semaphore(%arg17 : memref<!tpu.dma_semaphore, #tpu.memory_space<semaphore_mem>>) src(%dma_wait3A_335 : memref<1024x128xf32, #tpu.memory_space<vmem_shared>>) dst(%dma_wait3A_330 : memref<32x128xf32, #tpu.memory_space<vmem>>)
    %add3A_336 = arith.constant 160 : i32
    %add3A_337 = arith.addi %mul3A_2, %add3A_336 : i32
    %dma_start3A_338 = arith.constant 160 : i32
    %dma_start3A_339 = arith.constant 0 : i32
    %dma_start3A_340 = tpu.memref_slice %arg8[%dma_start3A_338, %dma_start3A_339] : memref<512x128xf32, #tpu.memory_space<vmem>> -> memref<32x128xf32, #tpu.memory_space<vmem>>
    %dma_start3A_341 = arith.constant 0 : i32
    %dma_start3A_342 = tpu.memref_slice %arg5[%add3A_337, %dma_start3A_341] : memref<16384x128xf32, #tpu.memory_space<hbm>> -> memref<32x128xf32, #tpu.memory_space<hbm>>
    %dma_start3A_343 = arith.constant 0 : i32
    %dma_start3A_344 = tpu.memref_slice %arg5[%add3A_337, %dma_start3A_343] : memref<16384x128xf32, #tpu.memory_space<hbm>> -> memref<32x128xf32, #tpu.memory_space<hbm>>
    %dma_start3A_345 = arith.constant 160 : i32
    %dma_start3A_346 = arith.constant 0 : i32
    %dma_start3A_347 = tpu.memref_slice %arg8[%dma_start3A_345, %dma_start3A_346] : memref<512x128xf32, #tpu.memory_space<vmem>> -> memref<32x128xf32, #tpu.memory_space<vmem>>
    tpu.enqueue_dma source(%dma_start3A_347 : memref<32x128xf32, #tpu.memory_space<vmem>>) target(%dma_start3A_344 : memref<32x128xf32, #tpu.memory_space<hbm>>) target_semaphore(%arg11 : memref<!tpu.dma_semaphore, #tpu.memory_space<semaphore_mem>>)
    %dma_wait3A_348 = arith.constant 192 : i32
    %dma_wait3A_349 = arith.constant 0 : i32
    %dma_wait3A_350 = tpu.memref_slice %arg8[%dma_wait3A_348, %dma_wait3A_349] : memref<512x128xf32, #tpu.memory_space<vmem>> -> memref<32x128xf32, #tpu.memory_space<vmem>>
    %dma_wait3A_351 = arith.constant 192 : i32
    %dma_wait3A_352 = tpu.memref_slice %arg6[%dma_wait3A_351] : memref<512xi32, #tpu.memory_space<vmem>> -> memref<32xi32, #tpu.memory_space<vmem>>
    %dma_wait3A_353 = arith.constant 0 : i32
    %dma_wait3A_354 = arith.constant 0 : i32
    %dma_wait3A_355 = tpu.memref_slice %arg9[%dma_wait3A_353, %dma_wait3A_354] : memref<1024x128xf32, #tpu.memory_space<vmem_shared>> -> memref<1024x128xf32, #tpu.memory_space<vmem_shared>>
    tpu.wait_indirect_dma semaphore(%arg18 : memref<!tpu.dma_semaphore, #tpu.memory_space<semaphore_mem>>) src(%dma_wait3A_355 : memref<1024x128xf32, #tpu.memory_space<vmem_shared>>) dst(%dma_wait3A_350 : memref<32x128xf32, #tpu.memory_space<vmem>>)
    %add3A_356 = arith.constant 192 : i32
    %add3A_357 = arith.addi %mul3A_2, %add3A_356 : i32
    %dma_start3A_358 = arith.constant 192 : i32
    %dma_start3A_359 = arith.constant 0 : i32
    %dma_start3A_360 = tpu.memref_slice %arg8[%dma_start3A_358, %dma_start3A_359] : memref<512x128xf32, #tpu.memory_space<vmem>> -> memref<32x128xf32, #tpu.memory_space<vmem>>
    %dma_start3A_361 = arith.constant 0 : i32
    %dma_start3A_362 = tpu.memref_slice %arg5[%add3A_357, %dma_start3A_361] : memref<16384x128xf32, #tpu.memory_space<hbm>> -> memref<32x128xf32, #tpu.memory_space<hbm>>
    %dma_start3A_363 = arith.constant 0 : i32
    %dma_start3A_364 = tpu.memref_slice %arg5[%add3A_357, %dma_start3A_363] : memref<16384x128xf32, #tpu.memory_space<hbm>> -> memref<32x128xf32, #tpu.memory_space<hbm>>
    %dma_start3A_365 = arith.constant 192 : i32
    %dma_start3A_366 = arith.constant 0 : i32
    %dma_start3A_367 = tpu.memref_slice %arg8[%dma_start3A_365, %dma_start3A_366] : memref<512x128xf32, #tpu.memory_space<vmem>> -> memref<32x128xf32, #tpu.memory_space<vmem>>
    tpu.enqueue_dma source(%dma_start3A_367 : memref<32x128xf32, #tpu.memory_space<vmem>>) target(%dma_start3A_364 : memref<32x128xf32, #tpu.memory_space<hbm>>) target_semaphore(%arg11 : memref<!tpu.dma_semaphore, #tpu.memory_space<semaphore_mem>>)
    %dma_wait3A_368 = arith.constant 224 : i32
    %dma_wait3A_369 = arith.constant 0 : i32
    %dma_wait3A_370 = tpu.memref_slice %arg8[%dma_wait3A_368, %dma_wait3A_369] : memref<512x128xf32, #tpu.memory_space<vmem>> -> memref<32x128xf32, #tpu.memory_space<vmem>>
    %dma_wait3A_371 = arith.constant 224 : i32
    %dma_wait3A_372 = tpu.memref_slice %arg6[%dma_wait3A_371] : memref<512xi32, #tpu.memory_space<vmem>> -> memref<32xi32, #tpu.memory_space<vmem>>
    %dma_wait3A_373 = arith.constant 0 : i32
    %dma_wait3A_374 = arith.constant 0 : i32
    %dma_wait3A_375 = tpu.memref_slice %arg9[%dma_wait3A_373, %dma_wait3A_374] : memref<1024x128xf32, #tpu.memory_space<vmem_shared>> -> memref<1024x128xf32, #tpu.memory_space<vmem_shared>>
    tpu.wait_indirect_dma semaphore(%arg19 : memref<!tpu.dma_semaphore, #tpu.memory_space<semaphore_mem>>) src(%dma_wait3A_375 : memref<1024x128xf32, #tpu.memory_space<vmem_shared>>) dst(%dma_wait3A_370 : memref<32x128xf32, #tpu.memory_space<vmem>>)
    %add3A_376 = arith.constant 224 : i32
    %add3A_377 = arith.addi %mul3A_2, %add3A_376 : i32
    %dma_start3A_378 = arith.constant 224 : i32
    %dma_start3A_379 = arith.constant 0 : i32
    %dma_start3A_380 = tpu.memref_slice %arg8[%dma_start3A_378, %dma_start3A_379] : memref<512x128xf32, #tpu.memory_space<vmem>> -> memref<32x128xf32, #tpu.memory_space<vmem>>
    %dma_start3A_381 = arith.constant 0 : i32
    %dma_start3A_382 = tpu.memref_slice %arg5[%add3A_377, %dma_start3A_381] : memref<16384x128xf32, #tpu.memory_space<hbm>> -> memref<32x128xf32, #tpu.memory_space<hbm>>
    %dma_start3A_383 = arith.constant 0 : i32
    %dma_start3A_384 = tpu.memref_slice %arg5[%add3A_377, %dma_start3A_383] : memref<16384x128xf32, #tpu.memory_space<hbm>> -> memref<32x128xf32, #tpu.memory_space<hbm>>
    %dma_start3A_385 = arith.constant 224 : i32
    %dma_start3A_386 = arith.constant 0 : i32
    %dma_start3A_387 = tpu.memref_slice %arg8[%dma_start3A_385, %dma_start3A_386] : memref<512x128xf32, #tpu.memory_space<vmem>> -> memref<32x128xf32, #tpu.memory_space<vmem>>
    tpu.enqueue_dma source(%dma_start3A_387 : memref<32x128xf32, #tpu.memory_space<vmem>>) target(%dma_start3A_384 : memref<32x128xf32, #tpu.memory_space<hbm>>) target_semaphore(%arg11 : memref<!tpu.dma_semaphore, #tpu.memory_space<semaphore_mem>>)
    %dma_wait3A_388 = arith.constant 256 : i32
    %dma_wait3A_389 = arith.constant 0 : i32
    %dma_wait3A_390 = tpu.memref_slice %arg8[%dma_wait3A_388, %dma_wait3A_389] : memref<512x128xf32, #tpu.memory_space<vmem>> -> memref<32x128xf32, #tpu.memory_space<vmem>>
    %dma_wait3A_391 = arith.constant 256 : i32
    %dma_wait3A_392 = tpu.memref_slice %arg6[%dma_wait3A_391] : memref<512xi32, #tpu.memory_space<vmem>> -> memref<32xi32, #tpu.memory_space<vmem>>
    %dma_wait3A_393 = arith.constant 0 : i32
    %dma_wait3A_394 = arith.constant 0 : i32
    %dma_wait3A_395 = tpu.memref_slice %arg9[%dma_wait3A_393, %dma_wait3A_394] : memref<1024x128xf32, #tpu.memory_space<vmem_shared>> -> memref<1024x128xf32, #tpu.memory_space<vmem_shared>>
    tpu.wait_indirect_dma semaphore(%arg20 : memref<!tpu.dma_semaphore, #tpu.memory_space<semaphore_mem>>) src(%dma_wait3A_395 : memref<1024x128xf32, #tpu.memory_space<vmem_shared>>) dst(%dma_wait3A_390 : memref<32x128xf32, #tpu.memory_space<vmem>>)
    %add3A_396 = arith.constant 256 : i32
    %add3A_397 = arith.addi %mul3A_2, %add3A_396 : i32
    %dma_start3A_398 = arith.constant 256 : i32
    %dma_start3A_399 = arith.constant 0 : i32
    %dma_start3A_400 = tpu.memref_slice %arg8[%dma_start3A_398, %dma_start3A_399] : memref<512x128xf32, #tpu.memory_space<vmem>> -> memref<32x128xf32, #tpu.memory_space<vmem>>
    %dma_start3A_401 = arith.constant 0 : i32
    %dma_start3A_402 = tpu.memref_slice %arg5[%add3A_397, %dma_start3A_401] : memref<16384x128xf32, #tpu.memory_space<hbm>> -> memref<32x128xf32, #tpu.memory_space<hbm>>
    %dma_start3A_403 = arith.constant 0 : i32
    %dma_start3A_404 = tpu.memref_slice %arg5[%add3A_397, %dma_start3A_403] : memref<16384x128xf32, #tpu.memory_space<hbm>> -> memref<32x128xf32, #tpu.memory_space<hbm>>
    %dma_start3A_405 = arith.constant 256 : i32
    %dma_start3A_406 = arith.constant 0 : i32
    %dma_start3A_407 = tpu.memref_slice %arg8[%dma_start3A_405, %dma_start3A_406] : memref<512x128xf32, #tpu.memory_space<vmem>> -> memref<32x128xf32, #tpu.memory_space<vmem>>
    tpu.enqueue_dma source(%dma_start3A_407 : memref<32x128xf32, #tpu.memory_space<vmem>>) target(%dma_start3A_404 : memref<32x128xf32, #tpu.memory_space<hbm>>) target_semaphore(%arg11 : memref<!tpu.dma_semaphore, #tpu.memory_space<semaphore_mem>>)
    %dma_wait3A_408 = arith.constant 288 : i32
    %dma_wait3A_409 = arith.constant 0 : i32
    %dma_wait3A_410 = tpu.memref_slice %arg8[%dma_wait3A_408, %dma_wait3A_409] : memref<512x128xf32, #tpu.memory_space<vmem>> -> memref<32x128xf32, #tpu.memory_space<vmem>>
    %dma_wait3A_411 = arith.constant 288 : i32
    %dma_wait3A_412 = tpu.memref_slice %arg6[%dma_wait3A_411] : memref<512xi32, #tpu.memory_space<vmem>> -> memref<32xi32, #tpu.memory_space<vmem>>
    %dma_wait3A_413 = arith.constant 0 : i32
    %dma_wait3A_414 = arith.constant 0 : i32
    %dma_wait3A_415 = tpu.memref_slice %arg9[%dma_wait3A_413, %dma_wait3A_414] : memref<1024x128xf32, #tpu.memory_space<vmem_shared>> -> memref<1024x128xf32, #tpu.memory_space<vmem_shared>>
    tpu.wait_indirect_dma semaphore(%arg21 : memref<!tpu.dma_semaphore, #tpu.memory_space<semaphore_mem>>) src(%dma_wait3A_415 : memref<1024x128xf32, #tpu.memory_space<vmem_shared>>) dst(%dma_wait3A_410 : memref<32x128xf32, #tpu.memory_space<vmem>>)
    %add3A_416 = arith.constant 288 : i32
    %add3A_417 = arith.addi %mul3A_2, %add3A_416 : i32
    %dma_start3A_418 = arith.constant 288 : i32
    %dma_start3A_419 = arith.constant 0 : i32
    %dma_start3A_420 = tpu.memref_slice %arg8[%dma_start3A_418, %dma_start3A_419] : memref<512x128xf32, #tpu.memory_space<vmem>> -> memref<32x128xf32, #tpu.memory_space<vmem>>
    %dma_start3A_421 = arith.constant 0 : i32
    %dma_start3A_422 = tpu.memref_slice %arg5[%add3A_417, %dma_start3A_421] : memref<16384x128xf32, #tpu.memory_space<hbm>> -> memref<32x128xf32, #tpu.memory_space<hbm>>
    %dma_start3A_423 = arith.constant 0 : i32
    %dma_start3A_424 = tpu.memref_slice %arg5[%add3A_417, %dma_start3A_423] : memref<16384x128xf32, #tpu.memory_space<hbm>> -> memref<32x128xf32, #tpu.memory_space<hbm>>
    %dma_start3A_425 = arith.constant 288 : i32
    %dma_start3A_426 = arith.constant 0 : i32
    %dma_start3A_427 = tpu.memref_slice %arg8[%dma_start3A_425, %dma_start3A_426] : memref<512x128xf32, #tpu.memory_space<vmem>> -> memref<32x128xf32, #tpu.memory_space<vmem>>
    tpu.enqueue_dma source(%dma_start3A_427 : memref<32x128xf32, #tpu.memory_space<vmem>>) target(%dma_start3A_424 : memref<32x128xf32, #tpu.memory_space<hbm>>) target_semaphore(%arg11 : memref<!tpu.dma_semaphore, #tpu.memory_space<semaphore_mem>>)
    %dma_wait3A_428 = arith.constant 320 : i32
    %dma_wait3A_429 = arith.constant 0 : i32
    %dma_wait3A_430 = tpu.memref_slice %arg8[%dma_wait3A_428, %dma_wait3A_429] : memref<512x128xf32, #tpu.memory_space<vmem>> -> memref<32x128xf32, #tpu.memory_space<vmem>>
    %dma_wait3A_431 = arith.constant 320 : i32
    %dma_wait3A_432 = tpu.memref_slice %arg6[%dma_wait3A_431] : memref<512xi32, #tpu.memory_space<vmem>> -> memref<32xi32, #tpu.memory_space<vmem>>
    %dma_wait3A_433 = arith.constant 0 : i32
    %dma_wait3A_434 = arith.constant 0 : i32
    %dma_wait3A_435 = tpu.memref_slice %arg9[%dma_wait3A_433, %dma_wait3A_434] : memref<1024x128xf32, #tpu.memory_space<vmem_shared>> -> memref<1024x128xf32, #tpu.memory_space<vmem_shared>>
    tpu.wait_indirect_dma semaphore(%arg22 : memref<!tpu.dma_semaphore, #tpu.memory_space<semaphore_mem>>) src(%dma_wait3A_435 : memref<1024x128xf32, #tpu.memory_space<vmem_shared>>) dst(%dma_wait3A_430 : memref<32x128xf32, #tpu.memory_space<vmem>>)
    %add3A_436 = arith.constant 320 : i32
    %add3A_437 = arith.addi %mul3A_2, %add3A_436 : i32
    %dma_start3A_438 = arith.constant 320 : i32
    %dma_start3A_439 = arith.constant 0 : i32
    %dma_start3A_440 = tpu.memref_slice %arg8[%dma_start3A_438, %dma_start3A_439] : memref<512x128xf32, #tpu.memory_space<vmem>> -> memref<32x128xf32, #tpu.memory_space<vmem>>
    %dma_start3A_441 = arith.constant 0 : i32
    %dma_start3A_442 = tpu.memref_slice %arg5[%add3A_437, %dma_start3A_441] : memref<16384x128xf32, #tpu.memory_space<hbm>> -> memref<32x128xf32, #tpu.memory_space<hbm>>
    %dma_start3A_443 = arith.constant 0 : i32
    %dma_start3A_444 = tpu.memref_slice %arg5[%add3A_437, %dma_start3A_443] : memref<16384x128xf32, #tpu.memory_space<hbm>> -> memref<32x128xf32, #tpu.memory_space<hbm>>
    %dma_start3A_445 = arith.constant 320 : i32
    %dma_start3A_446 = arith.constant 0 : i32
    %dma_start3A_447 = tpu.memref_slice %arg8[%dma_start3A_445, %dma_start3A_446] : memref<512x128xf32, #tpu.memory_space<vmem>> -> memref<32x128xf32, #tpu.memory_space<vmem>>
    tpu.enqueue_dma source(%dma_start3A_447 : memref<32x128xf32, #tpu.memory_space<vmem>>) target(%dma_start3A_444 : memref<32x128xf32, #tpu.memory_space<hbm>>) target_semaphore(%arg11 : memref<!tpu.dma_semaphore, #tpu.memory_space<semaphore_mem>>)
    %dma_wait3A_448 = arith.constant 352 : i32
    %dma_wait3A_449 = arith.constant 0 : i32
    %dma_wait3A_450 = tpu.memref_slice %arg8[%dma_wait3A_448, %dma_wait3A_449] : memref<512x128xf32, #tpu.memory_space<vmem>> -> memref<32x128xf32, #tpu.memory_space<vmem>>
    %dma_wait3A_451 = arith.constant 352 : i32
    %dma_wait3A_452 = tpu.memref_slice %arg6[%dma_wait3A_451] : memref<512xi32, #tpu.memory_space<vmem>> -> memref<32xi32, #tpu.memory_space<vmem>>
    %dma_wait3A_453 = arith.constant 0 : i32
    %dma_wait3A_454 = arith.constant 0 : i32
    %dma_wait3A_455 = tpu.memref_slice %arg9[%dma_wait3A_453, %dma_wait3A_454] : memref<1024x128xf32, #tpu.memory_space<vmem_shared>> -> memref<1024x128xf32, #tpu.memory_space<vmem_shared>>
    tpu.wait_indirect_dma semaphore(%arg23 : memref<!tpu.dma_semaphore, #tpu.memory_space<semaphore_mem>>) src(%dma_wait3A_455 : memref<1024x128xf32, #tpu.memory_space<vmem_shared>>) dst(%dma_wait3A_450 : memref<32x128xf32, #tpu.memory_space<vmem>>)
    %add3A_456 = arith.constant 352 : i32
    %add3A_457 = arith.addi %mul3A_2, %add3A_456 : i32
    %dma_start3A_458 = arith.constant 352 : i32
    %dma_start3A_459 = arith.constant 0 : i32
    %dma_start3A_460 = tpu.memref_slice %arg8[%dma_start3A_458, %dma_start3A_459] : memref<512x128xf32, #tpu.memory_space<vmem>> -> memref<32x128xf32, #tpu.memory_space<vmem>>
    %dma_start3A_461 = arith.constant 0 : i32
    %dma_start3A_462 = tpu.memref_slice %arg5[%add3A_457, %dma_start3A_461] : memref<16384x128xf32, #tpu.memory_space<hbm>> -> memref<32x128xf32, #tpu.memory_space<hbm>>
    %dma_start3A_463 = arith.constant 0 : i32
    %dma_start3A_464 = tpu.memref_slice %arg5[%add3A_457, %dma_start3A_463] : memref<16384x128xf32, #tpu.memory_space<hbm>> -> memref<32x128xf32, #tpu.memory_space<hbm>>
    %dma_start3A_465 = arith.constant 352 : i32
    %dma_start3A_466 = arith.constant 0 : i32
    %dma_start3A_467 = tpu.memref_slice %arg8[%dma_start3A_465, %dma_start3A_466] : memref<512x128xf32, #tpu.memory_space<vmem>> -> memref<32x128xf32, #tpu.memory_space<vmem>>
    tpu.enqueue_dma source(%dma_start3A_467 : memref<32x128xf32, #tpu.memory_space<vmem>>) target(%dma_start3A_464 : memref<32x128xf32, #tpu.memory_space<hbm>>) target_semaphore(%arg11 : memref<!tpu.dma_semaphore, #tpu.memory_space<semaphore_mem>>)
    %dma_wait3A_468 = arith.constant 384 : i32
    %dma_wait3A_469 = arith.constant 0 : i32
    %dma_wait3A_470 = tpu.memref_slice %arg8[%dma_wait3A_468, %dma_wait3A_469] : memref<512x128xf32, #tpu.memory_space<vmem>> -> memref<32x128xf32, #tpu.memory_space<vmem>>
    %dma_wait3A_471 = arith.constant 384 : i32
    %dma_wait3A_472 = tpu.memref_slice %arg6[%dma_wait3A_471] : memref<512xi32, #tpu.memory_space<vmem>> -> memref<32xi32, #tpu.memory_space<vmem>>
    %dma_wait3A_473 = arith.constant 0 : i32
    %dma_wait3A_474 = arith.constant 0 : i32
    %dma_wait3A_475 = tpu.memref_slice %arg9[%dma_wait3A_473, %dma_wait3A_474] : memref<1024x128xf32, #tpu.memory_space<vmem_shared>> -> memref<1024x128xf32, #tpu.memory_space<vmem_shared>>
    tpu.wait_indirect_dma semaphore(%arg24 : memref<!tpu.dma_semaphore, #tpu.memory_space<semaphore_mem>>) src(%dma_wait3A_475 : memref<1024x128xf32, #tpu.memory_space<vmem_shared>>) dst(%dma_wait3A_470 : memref<32x128xf32, #tpu.memory_space<vmem>>)
    %add3A_476 = arith.constant 384 : i32
    %add3A_477 = arith.addi %mul3A_2, %add3A_476 : i32
    %dma_start3A_478 = arith.constant 384 : i32
    %dma_start3A_479 = arith.constant 0 : i32
    %dma_start3A_480 = tpu.memref_slice %arg8[%dma_start3A_478, %dma_start3A_479] : memref<512x128xf32, #tpu.memory_space<vmem>> -> memref<32x128xf32, #tpu.memory_space<vmem>>
    %dma_start3A_481 = arith.constant 0 : i32
    %dma_start3A_482 = tpu.memref_slice %arg5[%add3A_477, %dma_start3A_481] : memref<16384x128xf32, #tpu.memory_space<hbm>> -> memref<32x128xf32, #tpu.memory_space<hbm>>
    %dma_start3A_483 = arith.constant 0 : i32
    %dma_start3A_484 = tpu.memref_slice %arg5[%add3A_477, %dma_start3A_483] : memref<16384x128xf32, #tpu.memory_space<hbm>> -> memref<32x128xf32, #tpu.memory_space<hbm>>
    %dma_start3A_485 = arith.constant 384 : i32
    %dma_start3A_486 = arith.constant 0 : i32
    %dma_start3A_487 = tpu.memref_slice %arg8[%dma_start3A_485, %dma_start3A_486] : memref<512x128xf32, #tpu.memory_space<vmem>> -> memref<32x128xf32, #tpu.memory_space<vmem>>
    tpu.enqueue_dma source(%dma_start3A_487 : memref<32x128xf32, #tpu.memory_space<vmem>>) target(%dma_start3A_484 : memref<32x128xf32, #tpu.memory_space<hbm>>) target_semaphore(%arg11 : memref<!tpu.dma_semaphore, #tpu.memory_space<semaphore_mem>>)
    %dma_wait3A_488 = arith.constant 416 : i32
    %dma_wait3A_489 = arith.constant 0 : i32
    %dma_wait3A_490 = tpu.memref_slice %arg8[%dma_wait3A_488, %dma_wait3A_489] : memref<512x128xf32, #tpu.memory_space<vmem>> -> memref<32x128xf32, #tpu.memory_space<vmem>>
    %dma_wait3A_491 = arith.constant 416 : i32
    %dma_wait3A_492 = tpu.memref_slice %arg6[%dma_wait3A_491] : memref<512xi32, #tpu.memory_space<vmem>> -> memref<32xi32, #tpu.memory_space<vmem>>
    %dma_wait3A_493 = arith.constant 0 : i32
    %dma_wait3A_494 = arith.constant 0 : i32
    %dma_wait3A_495 = tpu.memref_slice %arg9[%dma_wait3A_493, %dma_wait3A_494] : memref<1024x128xf32, #tpu.memory_space<vmem_shared>> -> memref<1024x128xf32, #tpu.memory_space<vmem_shared>>
    tpu.wait_indirect_dma semaphore(%arg25 : memref<!tpu.dma_semaphore, #tpu.memory_space<semaphore_mem>>) src(%dma_wait3A_495 : memref<1024x128xf32, #tpu.memory_space<vmem_shared>>) dst(%dma_wait3A_490 : memref<32x128xf32, #tpu.memory_space<vmem>>)
    %add3A_496 = arith.constant 416 : i32
    %add3A_497 = arith.addi %mul3A_2, %add3A_496 : i32
    %dma_start3A_498 = arith.constant 416 : i32
    %dma_start3A_499 = arith.constant 0 : i32
    %dma_start3A_500 = tpu.memref_slice %arg8[%dma_start3A_498, %dma_start3A_499] : memref<512x128xf32, #tpu.memory_space<vmem>> -> memref<32x128xf32, #tpu.memory_space<vmem>>
    %dma_start3A_501 = arith.constant 0 : i32
    %dma_start3A_502 = tpu.memref_slice %arg5[%add3A_497, %dma_start3A_501] : memref<16384x128xf32, #tpu.memory_space<hbm>> -> memref<32x128xf32, #tpu.memory_space<hbm>>
    %dma_start3A_503 = arith.constant 0 : i32
    %dma_start3A_504 = tpu.memref_slice %arg5[%add3A_497, %dma_start3A_503] : memref<16384x128xf32, #tpu.memory_space<hbm>> -> memref<32x128xf32, #tpu.memory_space<hbm>>
    %dma_start3A_505 = arith.constant 416 : i32
    %dma_start3A_506 = arith.constant 0 : i32
    %dma_start3A_507 = tpu.memref_slice %arg8[%dma_start3A_505, %dma_start3A_506] : memref<512x128xf32, #tpu.memory_space<vmem>> -> memref<32x128xf32, #tpu.memory_space<vmem>>
    tpu.enqueue_dma source(%dma_start3A_507 : memref<32x128xf32, #tpu.memory_space<vmem>>) target(%dma_start3A_504 : memref<32x128xf32, #tpu.memory_space<hbm>>) target_semaphore(%arg11 : memref<!tpu.dma_semaphore, #tpu.memory_space<semaphore_mem>>)
    %dma_wait3A_508 = arith.constant 448 : i32
    %dma_wait3A_509 = arith.constant 0 : i32
    %dma_wait3A_510 = tpu.memref_slice %arg8[%dma_wait3A_508, %dma_wait3A_509] : memref<512x128xf32, #tpu.memory_space<vmem>> -> memref<32x128xf32, #tpu.memory_space<vmem>>
    %dma_wait3A_511 = arith.constant 448 : i32
    %dma_wait3A_512 = tpu.memref_slice %arg6[%dma_wait3A_511] : memref<512xi32, #tpu.memory_space<vmem>> -> memref<32xi32, #tpu.memory_space<vmem>>
    %dma_wait3A_513 = arith.constant 0 : i32
    %dma_wait3A_514 = arith.constant 0 : i32
    %dma_wait3A_515 = tpu.memref_slice %arg9[%dma_wait3A_513, %dma_wait3A_514] : memref<1024x128xf32, #tpu.memory_space<vmem_shared>> -> memref<1024x128xf32, #tpu.memory_space<vmem_shared>>
    tpu.wait_indirect_dma semaphore(%arg26 : memref<!tpu.dma_semaphore, #tpu.memory_space<semaphore_mem>>) src(%dma_wait3A_515 : memref<1024x128xf32, #tpu.memory_space<vmem_shared>>) dst(%dma_wait3A_510 : memref<32x128xf32, #tpu.memory_space<vmem>>)
    %add3A_516 = arith.constant 448 : i32
    %add3A_517 = arith.addi %mul3A_2, %add3A_516 : i32
    %dma_start3A_518 = arith.constant 448 : i32
    %dma_start3A_519 = arith.constant 0 : i32
    %dma_start3A_520 = tpu.memref_slice %arg8[%dma_start3A_518, %dma_start3A_519] : memref<512x128xf32, #tpu.memory_space<vmem>> -> memref<32x128xf32, #tpu.memory_space<vmem>>
    %dma_start3A_521 = arith.constant 0 : i32
    %dma_start3A_522 = tpu.memref_slice %arg5[%add3A_517, %dma_start3A_521] : memref<16384x128xf32, #tpu.memory_space<hbm>> -> memref<32x128xf32, #tpu.memory_space<hbm>>
    %dma_start3A_523 = arith.constant 0 : i32
    %dma_start3A_524 = tpu.memref_slice %arg5[%add3A_517, %dma_start3A_523] : memref<16384x128xf32, #tpu.memory_space<hbm>> -> memref<32x128xf32, #tpu.memory_space<hbm>>
    %dma_start3A_525 = arith.constant 448 : i32
    %dma_start3A_526 = arith.constant 0 : i32
    %dma_start3A_527 = tpu.memref_slice %arg8[%dma_start3A_525, %dma_start3A_526] : memref<512x128xf32, #tpu.memory_space<vmem>> -> memref<32x128xf32, #tpu.memory_space<vmem>>
    tpu.enqueue_dma source(%dma_start3A_527 : memref<32x128xf32, #tpu.memory_space<vmem>>) target(%dma_start3A_524 : memref<32x128xf32, #tpu.memory_space<hbm>>) target_semaphore(%arg11 : memref<!tpu.dma_semaphore, #tpu.memory_space<semaphore_mem>>)
    %dma_wait3A_528 = arith.constant 480 : i32
    %dma_wait3A_529 = arith.constant 0 : i32
    %dma_wait3A_530 = tpu.memref_slice %arg8[%dma_wait3A_528, %dma_wait3A_529] : memref<512x128xf32, #tpu.memory_space<vmem>> -> memref<32x128xf32, #tpu.memory_space<vmem>>
    %dma_wait3A_531 = arith.constant 480 : i32
    %dma_wait3A_532 = tpu.memref_slice %arg6[%dma_wait3A_531] : memref<512xi32, #tpu.memory_space<vmem>> -> memref<32xi32, #tpu.memory_space<vmem>>
    %dma_wait3A_533 = arith.constant 0 : i32
    %dma_wait3A_534 = arith.constant 0 : i32
    %dma_wait3A_535 = tpu.memref_slice %arg9[%dma_wait3A_533, %dma_wait3A_534] : memref<1024x128xf32, #tpu.memory_space<vmem_shared>> -> memref<1024x128xf32, #tpu.memory_space<vmem_shared>>
    tpu.wait_indirect_dma semaphore(%arg27 : memref<!tpu.dma_semaphore, #tpu.memory_space<semaphore_mem>>) src(%dma_wait3A_535 : memref<1024x128xf32, #tpu.memory_space<vmem_shared>>) dst(%dma_wait3A_530 : memref<32x128xf32, #tpu.memory_space<vmem>>)
    %add3A_536 = arith.constant 480 : i32
    %add3A_537 = arith.addi %mul3A_2, %add3A_536 : i32
    %dma_start3A_538 = arith.constant 480 : i32
    %dma_start3A_539 = arith.constant 0 : i32
    %dma_start3A_540 = tpu.memref_slice %arg8[%dma_start3A_538, %dma_start3A_539] : memref<512x128xf32, #tpu.memory_space<vmem>> -> memref<32x128xf32, #tpu.memory_space<vmem>>
    %dma_start3A_541 = arith.constant 0 : i32
    %dma_start3A_542 = tpu.memref_slice %arg5[%add3A_537, %dma_start3A_541] : memref<16384x128xf32, #tpu.memory_space<hbm>> -> memref<32x128xf32, #tpu.memory_space<hbm>>
    %dma_start3A_543 = arith.constant 0 : i32
    %dma_start3A_544 = tpu.memref_slice %arg5[%add3A_537, %dma_start3A_543] : memref<16384x128xf32, #tpu.memory_space<hbm>> -> memref<32x128xf32, #tpu.memory_space<hbm>>
    %dma_start3A_545 = arith.constant 480 : i32
    %dma_start3A_546 = arith.constant 0 : i32
    %dma_start3A_547 = tpu.memref_slice %arg8[%dma_start3A_545, %dma_start3A_546] : memref<512x128xf32, #tpu.memory_space<vmem>> -> memref<32x128xf32, #tpu.memory_space<vmem>>
    tpu.enqueue_dma source(%dma_start3A_547 : memref<32x128xf32, #tpu.memory_space<vmem>>) target(%dma_start3A_544 : memref<32x128xf32, #tpu.memory_space<hbm>>) target_semaphore(%arg11 : memref<!tpu.dma_semaphore, #tpu.memory_space<semaphore_mem>>)
    %dma_wait3A_548 = arith.constant 0 : i32
    %dma_wait3A_549 = arith.constant 0 : i32
    %dma_wait3A_550 = tpu.memref_slice %arg8[%dma_wait3A_548, %dma_wait3A_549] : memref<512x128xf32, #tpu.memory_space<vmem>> -> memref<32x128xf32, #tpu.memory_space<vmem>>
    %dma_wait3A_551 = arith.constant 0 : i32
    %dma_wait3A_552 = tpu.memref_slice %arg5[%add3A_237, %dma_wait3A_551] : memref<16384x128xf32, #tpu.memory_space<hbm>> -> memref<32x128xf32, #tpu.memory_space<hbm>>
    %dma_wait3A_553 = arith.constant 0 : i32
    %dma_wait3A_554 = tpu.memref_slice %arg5[%add3A_237, %dma_wait3A_553] : memref<16384x128xf32, #tpu.memory_space<hbm>> -> memref<32x128xf32, #tpu.memory_space<hbm>>
    %dma_wait3A_555 = arith.constant 0 : i32
    %dma_wait3A_556 = arith.constant 0 : i32
    %dma_wait3A_557 = tpu.memref_slice %arg8[%dma_wait3A_555, %dma_wait3A_556] : memref<512x128xf32, #tpu.memory_space<vmem>> -> memref<32x128xf32, #tpu.memory_space<vmem>>
    tpu.wait_dma2 semaphore(%arg11 : memref<!tpu.dma_semaphore, #tpu.memory_space<semaphore_mem>>) src(%dma_wait3A_557 : memref<32x128xf32, #tpu.memory_space<vmem>>) dst(%dma_wait3A_554 : memref<32x128xf32, #tpu.memory_space<hbm>>)
    %dma_wait3A_558 = arith.constant 32 : i32
    %dma_wait3A_559 = arith.constant 0 : i32
    %dma_wait3A_560 = tpu.memref_slice %arg8[%dma_wait3A_558, %dma_wait3A_559] : memref<512x128xf32, #tpu.memory_space<vmem>> -> memref<32x128xf32, #tpu.memory_space<vmem>>
    %dma_wait3A_561 = arith.constant 0 : i32
    %dma_wait3A_562 = tpu.memref_slice %arg5[%add3A_257, %dma_wait3A_561] : memref<16384x128xf32, #tpu.memory_space<hbm>> -> memref<32x128xf32, #tpu.memory_space<hbm>>
    %dma_wait3A_563 = arith.constant 0 : i32
    %dma_wait3A_564 = tpu.memref_slice %arg5[%add3A_257, %dma_wait3A_563] : memref<16384x128xf32, #tpu.memory_space<hbm>> -> memref<32x128xf32, #tpu.memory_space<hbm>>
    %dma_wait3A_565 = arith.constant 32 : i32
    %dma_wait3A_566 = arith.constant 0 : i32
    %dma_wait3A_567 = tpu.memref_slice %arg8[%dma_wait3A_565, %dma_wait3A_566] : memref<512x128xf32, #tpu.memory_space<vmem>> -> memref<32x128xf32, #tpu.memory_space<vmem>>
    tpu.wait_dma2 semaphore(%arg11 : memref<!tpu.dma_semaphore, #tpu.memory_space<semaphore_mem>>) src(%dma_wait3A_567 : memref<32x128xf32, #tpu.memory_space<vmem>>) dst(%dma_wait3A_564 : memref<32x128xf32, #tpu.memory_space<hbm>>)
    %dma_wait3A_568 = arith.constant 64 : i32
    %dma_wait3A_569 = arith.constant 0 : i32
    %dma_wait3A_570 = tpu.memref_slice %arg8[%dma_wait3A_568, %dma_wait3A_569] : memref<512x128xf32, #tpu.memory_space<vmem>> -> memref<32x128xf32, #tpu.memory_space<vmem>>
    %dma_wait3A_571 = arith.constant 0 : i32
    %dma_wait3A_572 = tpu.memref_slice %arg5[%add3A_277, %dma_wait3A_571] : memref<16384x128xf32, #tpu.memory_space<hbm>> -> memref<32x128xf32, #tpu.memory_space<hbm>>
    %dma_wait3A_573 = arith.constant 0 : i32
    %dma_wait3A_574 = tpu.memref_slice %arg5[%add3A_277, %dma_wait3A_573] : memref<16384x128xf32, #tpu.memory_space<hbm>> -> memref<32x128xf32, #tpu.memory_space<hbm>>
    %dma_wait3A_575 = arith.constant 64 : i32
    %dma_wait3A_576 = arith.constant 0 : i32
    %dma_wait3A_577 = tpu.memref_slice %arg8[%dma_wait3A_575, %dma_wait3A_576] : memref<512x128xf32, #tpu.memory_space<vmem>> -> memref<32x128xf32, #tpu.memory_space<vmem>>
    tpu.wait_dma2 semaphore(%arg11 : memref<!tpu.dma_semaphore, #tpu.memory_space<semaphore_mem>>) src(%dma_wait3A_577 : memref<32x128xf32, #tpu.memory_space<vmem>>) dst(%dma_wait3A_574 : memref<32x128xf32, #tpu.memory_space<hbm>>)
    %dma_wait3A_578 = arith.constant 96 : i32
    %dma_wait3A_579 = arith.constant 0 : i32
    %dma_wait3A_580 = tpu.memref_slice %arg8[%dma_wait3A_578, %dma_wait3A_579] : memref<512x128xf32, #tpu.memory_space<vmem>> -> memref<32x128xf32, #tpu.memory_space<vmem>>
    %dma_wait3A_581 = arith.constant 0 : i32
    %dma_wait3A_582 = tpu.memref_slice %arg5[%add3A_297, %dma_wait3A_581] : memref<16384x128xf32, #tpu.memory_space<hbm>> -> memref<32x128xf32, #tpu.memory_space<hbm>>
    %dma_wait3A_583 = arith.constant 0 : i32
    %dma_wait3A_584 = tpu.memref_slice %arg5[%add3A_297, %dma_wait3A_583] : memref<16384x128xf32, #tpu.memory_space<hbm>> -> memref<32x128xf32, #tpu.memory_space<hbm>>
    %dma_wait3A_585 = arith.constant 96 : i32
    %dma_wait3A_586 = arith.constant 0 : i32
    %dma_wait3A_587 = tpu.memref_slice %arg8[%dma_wait3A_585, %dma_wait3A_586] : memref<512x128xf32, #tpu.memory_space<vmem>> -> memref<32x128xf32, #tpu.memory_space<vmem>>
    tpu.wait_dma2 semaphore(%arg11 : memref<!tpu.dma_semaphore, #tpu.memory_space<semaphore_mem>>) src(%dma_wait3A_587 : memref<32x128xf32, #tpu.memory_space<vmem>>) dst(%dma_wait3A_584 : memref<32x128xf32, #tpu.memory_space<hbm>>)
    %dma_wait3A_588 = arith.constant 128 : i32
    %dma_wait3A_589 = arith.constant 0 : i32
    %dma_wait3A_590 = tpu.memref_slice %arg8[%dma_wait3A_588, %dma_wait3A_589] : memref<512x128xf32, #tpu.memory_space<vmem>> -> memref<32x128xf32, #tpu.memory_space<vmem>>
    %dma_wait3A_591 = arith.constant 0 : i32
    %dma_wait3A_592 = tpu.memref_slice %arg5[%add3A_317, %dma_wait3A_591] : memref<16384x128xf32, #tpu.memory_space<hbm>> -> memref<32x128xf32, #tpu.memory_space<hbm>>
    %dma_wait3A_593 = arith.constant 0 : i32
    %dma_wait3A_594 = tpu.memref_slice %arg5[%add3A_317, %dma_wait3A_593] : memref<16384x128xf32, #tpu.memory_space<hbm>> -> memref<32x128xf32, #tpu.memory_space<hbm>>
    %dma_wait3A_595 = arith.constant 128 : i32
    %dma_wait3A_596 = arith.constant 0 : i32
    %dma_wait3A_597 = tpu.memref_slice %arg8[%dma_wait3A_595, %dma_wait3A_596] : memref<512x128xf32, #tpu.memory_space<vmem>> -> memref<32x128xf32, #tpu.memory_space<vmem>>
    tpu.wait_dma2 semaphore(%arg11 : memref<!tpu.dma_semaphore, #tpu.memory_space<semaphore_mem>>) src(%dma_wait3A_597 : memref<32x128xf32, #tpu.memory_space<vmem>>) dst(%dma_wait3A_594 : memref<32x128xf32, #tpu.memory_space<hbm>>)
    %dma_wait3A_598 = arith.constant 160 : i32
    %dma_wait3A_599 = arith.constant 0 : i32
    %dma_wait3A_600 = tpu.memref_slice %arg8[%dma_wait3A_598, %dma_wait3A_599] : memref<512x128xf32, #tpu.memory_space<vmem>> -> memref<32x128xf32, #tpu.memory_space<vmem>>
    %dma_wait3A_601 = arith.constant 0 : i32
    %dma_wait3A_602 = tpu.memref_slice %arg5[%add3A_337, %dma_wait3A_601] : memref<16384x128xf32, #tpu.memory_space<hbm>> -> memref<32x128xf32, #tpu.memory_space<hbm>>
    %dma_wait3A_603 = arith.constant 0 : i32
    %dma_wait3A_604 = tpu.memref_slice %arg5[%add3A_337, %dma_wait3A_603] : memref<16384x128xf32, #tpu.memory_space<hbm>> -> memref<32x128xf32, #tpu.memory_space<hbm>>
    %dma_wait3A_605 = arith.constant 160 : i32
    %dma_wait3A_606 = arith.constant 0 : i32
    %dma_wait3A_607 = tpu.memref_slice %arg8[%dma_wait3A_605, %dma_wait3A_606] : memref<512x128xf32, #tpu.memory_space<vmem>> -> memref<32x128xf32, #tpu.memory_space<vmem>>
    tpu.wait_dma2 semaphore(%arg11 : memref<!tpu.dma_semaphore, #tpu.memory_space<semaphore_mem>>) src(%dma_wait3A_607 : memref<32x128xf32, #tpu.memory_space<vmem>>) dst(%dma_wait3A_604 : memref<32x128xf32, #tpu.memory_space<hbm>>)
    %dma_wait3A_608 = arith.constant 192 : i32
    %dma_wait3A_609 = arith.constant 0 : i32
    %dma_wait3A_610 = tpu.memref_slice %arg8[%dma_wait3A_608, %dma_wait3A_609] : memref<512x128xf32, #tpu.memory_space<vmem>> -> memref<32x128xf32, #tpu.memory_space<vmem>>
    %dma_wait3A_611 = arith.constant 0 : i32
    %dma_wait3A_612 = tpu.memref_slice %arg5[%add3A_357, %dma_wait3A_611] : memref<16384x128xf32, #tpu.memory_space<hbm>> -> memref<32x128xf32, #tpu.memory_space<hbm>>
    %dma_wait3A_613 = arith.constant 0 : i32
    %dma_wait3A_614 = tpu.memref_slice %arg5[%add3A_357, %dma_wait3A_613] : memref<16384x128xf32, #tpu.memory_space<hbm>> -> memref<32x128xf32, #tpu.memory_space<hbm>>
    %dma_wait3A_615 = arith.constant 192 : i32
    %dma_wait3A_616 = arith.constant 0 : i32
    %dma_wait3A_617 = tpu.memref_slice %arg8[%dma_wait3A_615, %dma_wait3A_616] : memref<512x128xf32, #tpu.memory_space<vmem>> -> memref<32x128xf32, #tpu.memory_space<vmem>>
    tpu.wait_dma2 semaphore(%arg11 : memref<!tpu.dma_semaphore, #tpu.memory_space<semaphore_mem>>) src(%dma_wait3A_617 : memref<32x128xf32, #tpu.memory_space<vmem>>) dst(%dma_wait3A_614 : memref<32x128xf32, #tpu.memory_space<hbm>>)
    %dma_wait3A_618 = arith.constant 224 : i32
    %dma_wait3A_619 = arith.constant 0 : i32
    %dma_wait3A_620 = tpu.memref_slice %arg8[%dma_wait3A_618, %dma_wait3A_619] : memref<512x128xf32, #tpu.memory_space<vmem>> -> memref<32x128xf32, #tpu.memory_space<vmem>>
    %dma_wait3A_621 = arith.constant 0 : i32
    %dma_wait3A_622 = tpu.memref_slice %arg5[%add3A_377, %dma_wait3A_621] : memref<16384x128xf32, #tpu.memory_space<hbm>> -> memref<32x128xf32, #tpu.memory_space<hbm>>
    %dma_wait3A_623 = arith.constant 0 : i32
    %dma_wait3A_624 = tpu.memref_slice %arg5[%add3A_377, %dma_wait3A_623] : memref<16384x128xf32, #tpu.memory_space<hbm>> -> memref<32x128xf32, #tpu.memory_space<hbm>>
    %dma_wait3A_625 = arith.constant 224 : i32
    %dma_wait3A_626 = arith.constant 0 : i32
    %dma_wait3A_627 = tpu.memref_slice %arg8[%dma_wait3A_625, %dma_wait3A_626] : memref<512x128xf32, #tpu.memory_space<vmem>> -> memref<32x128xf32, #tpu.memory_space<vmem>>
    tpu.wait_dma2 semaphore(%arg11 : memref<!tpu.dma_semaphore, #tpu.memory_space<semaphore_mem>>) src(%dma_wait3A_627 : memref<32x128xf32, #tpu.memory_space<vmem>>) dst(%dma_wait3A_624 : memref<32x128xf32, #tpu.memory_space<hbm>>)
    %dma_wait3A_628 = arith.constant 256 : i32
    %dma_wait3A_629 = arith.constant 0 : i32
    %dma_wait3A_630 = tpu.memref_slice %arg8[%dma_wait3A_628, %dma_wait3A_629] : memref<512x128xf32, #tpu.memory_space<vmem>> -> memref<32x128xf32, #tpu.memory_space<vmem>>
    %dma_wait3A_631 = arith.constant 0 : i32
    %dma_wait3A_632 = tpu.memref_slice %arg5[%add3A_397, %dma_wait3A_631] : memref<16384x128xf32, #tpu.memory_space<hbm>> -> memref<32x128xf32, #tpu.memory_space<hbm>>
    %dma_wait3A_633 = arith.constant 0 : i32
    %dma_wait3A_634 = tpu.memref_slice %arg5[%add3A_397, %dma_wait3A_633] : memref<16384x128xf32, #tpu.memory_space<hbm>> -> memref<32x128xf32, #tpu.memory_space<hbm>>
    %dma_wait3A_635 = arith.constant 256 : i32
    %dma_wait3A_636 = arith.constant 0 : i32
    %dma_wait3A_637 = tpu.memref_slice %arg8[%dma_wait3A_635, %dma_wait3A_636] : memref<512x128xf32, #tpu.memory_space<vmem>> -> memref<32x128xf32, #tpu.memory_space<vmem>>
    tpu.wait_dma2 semaphore(%arg11 : memref<!tpu.dma_semaphore, #tpu.memory_space<semaphore_mem>>) src(%dma_wait3A_637 : memref<32x128xf32, #tpu.memory_space<vmem>>) dst(%dma_wait3A_634 : memref<32x128xf32, #tpu.memory_space<hbm>>)
    %dma_wait3A_638 = arith.constant 288 : i32
    %dma_wait3A_639 = arith.constant 0 : i32
    %dma_wait3A_640 = tpu.memref_slice %arg8[%dma_wait3A_638, %dma_wait3A_639] : memref<512x128xf32, #tpu.memory_space<vmem>> -> memref<32x128xf32, #tpu.memory_space<vmem>>
    %dma_wait3A_641 = arith.constant 0 : i32
    %dma_wait3A_642 = tpu.memref_slice %arg5[%add3A_417, %dma_wait3A_641] : memref<16384x128xf32, #tpu.memory_space<hbm>> -> memref<32x128xf32, #tpu.memory_space<hbm>>
    %dma_wait3A_643 = arith.constant 0 : i32
    %dma_wait3A_644 = tpu.memref_slice %arg5[%add3A_417, %dma_wait3A_643] : memref<16384x128xf32, #tpu.memory_space<hbm>> -> memref<32x128xf32, #tpu.memory_space<hbm>>
    %dma_wait3A_645 = arith.constant 288 : i32
    %dma_wait3A_646 = arith.constant 0 : i32
    %dma_wait3A_647 = tpu.memref_slice %arg8[%dma_wait3A_645, %dma_wait3A_646] : memref<512x128xf32, #tpu.memory_space<vmem>> -> memref<32x128xf32, #tpu.memory_space<vmem>>
    tpu.wait_dma2 semaphore(%arg11 : memref<!tpu.dma_semaphore, #tpu.memory_space<semaphore_mem>>) src(%dma_wait3A_647 : memref<32x128xf32, #tpu.memory_space<vmem>>) dst(%dma_wait3A_644 : memref<32x128xf32, #tpu.memory_space<hbm>>)
    %dma_wait3A_648 = arith.constant 320 : i32
    %dma_wait3A_649 = arith.constant 0 : i32
    %dma_wait3A_650 = tpu.memref_slice %arg8[%dma_wait3A_648, %dma_wait3A_649] : memref<512x128xf32, #tpu.memory_space<vmem>> -> memref<32x128xf32, #tpu.memory_space<vmem>>
    %dma_wait3A_651 = arith.constant 0 : i32
    %dma_wait3A_652 = tpu.memref_slice %arg5[%add3A_437, %dma_wait3A_651] : memref<16384x128xf32, #tpu.memory_space<hbm>> -> memref<32x128xf32, #tpu.memory_space<hbm>>
    %dma_wait3A_653 = arith.constant 0 : i32
    %dma_wait3A_654 = tpu.memref_slice %arg5[%add3A_437, %dma_wait3A_653] : memref<16384x128xf32, #tpu.memory_space<hbm>> -> memref<32x128xf32, #tpu.memory_space<hbm>>
    %dma_wait3A_655 = arith.constant 320 : i32
    %dma_wait3A_656 = arith.constant 0 : i32
    %dma_wait3A_657 = tpu.memref_slice %arg8[%dma_wait3A_655, %dma_wait3A_656] : memref<512x128xf32, #tpu.memory_space<vmem>> -> memref<32x128xf32, #tpu.memory_space<vmem>>
    tpu.wait_dma2 semaphore(%arg11 : memref<!tpu.dma_semaphore, #tpu.memory_space<semaphore_mem>>) src(%dma_wait3A_657 : memref<32x128xf32, #tpu.memory_space<vmem>>) dst(%dma_wait3A_654 : memref<32x128xf32, #tpu.memory_space<hbm>>)
    %dma_wait3A_658 = arith.constant 352 : i32
    %dma_wait3A_659 = arith.constant 0 : i32
    %dma_wait3A_660 = tpu.memref_slice %arg8[%dma_wait3A_658, %dma_wait3A_659] : memref<512x128xf32, #tpu.memory_space<vmem>> -> memref<32x128xf32, #tpu.memory_space<vmem>>
    %dma_wait3A_661 = arith.constant 0 : i32
    %dma_wait3A_662 = tpu.memref_slice %arg5[%add3A_457, %dma_wait3A_661] : memref<16384x128xf32, #tpu.memory_space<hbm>> -> memref<32x128xf32, #tpu.memory_space<hbm>>
    %dma_wait3A_663 = arith.constant 0 : i32
    %dma_wait3A_664 = tpu.memref_slice %arg5[%add3A_457, %dma_wait3A_663] : memref<16384x128xf32, #tpu.memory_space<hbm>> -> memref<32x128xf32, #tpu.memory_space<hbm>>
    %dma_wait3A_665 = arith.constant 352 : i32
    %dma_wait3A_666 = arith.constant 0 : i32
    %dma_wait3A_667 = tpu.memref_slice %arg8[%dma_wait3A_665, %dma_wait3A_666] : memref<512x128xf32, #tpu.memory_space<vmem>> -> memref<32x128xf32, #tpu.memory_space<vmem>>
    tpu.wait_dma2 semaphore(%arg11 : memref<!tpu.dma_semaphore, #tpu.memory_space<semaphore_mem>>) src(%dma_wait3A_667 : memref<32x128xf32, #tpu.memory_space<vmem>>) dst(%dma_wait3A_664 : memref<32x128xf32, #tpu.memory_space<hbm>>)
    %dma_wait3A_668 = arith.constant 384 : i32
    %dma_wait3A_669 = arith.constant 0 : i32
    %dma_wait3A_670 = tpu.memref_slice %arg8[%dma_wait3A_668, %dma_wait3A_669] : memref<512x128xf32, #tpu.memory_space<vmem>> -> memref<32x128xf32, #tpu.memory_space<vmem>>
    %dma_wait3A_671 = arith.constant 0 : i32
    %dma_wait3A_672 = tpu.memref_slice %arg5[%add3A_477, %dma_wait3A_671] : memref<16384x128xf32, #tpu.memory_space<hbm>> -> memref<32x128xf32, #tpu.memory_space<hbm>>
    %dma_wait3A_673 = arith.constant 0 : i32
    %dma_wait3A_674 = tpu.memref_slice %arg5[%add3A_477, %dma_wait3A_673] : memref<16384x128xf32, #tpu.memory_space<hbm>> -> memref<32x128xf32, #tpu.memory_space<hbm>>
    %dma_wait3A_675 = arith.constant 384 : i32
    %dma_wait3A_676 = arith.constant 0 : i32
    %dma_wait3A_677 = tpu.memref_slice %arg8[%dma_wait3A_675, %dma_wait3A_676] : memref<512x128xf32, #tpu.memory_space<vmem>> -> memref<32x128xf32, #tpu.memory_space<vmem>>
    tpu.wait_dma2 semaphore(%arg11 : memref<!tpu.dma_semaphore, #tpu.memory_space<semaphore_mem>>) src(%dma_wait3A_677 : memref<32x128xf32, #tpu.memory_space<vmem>>) dst(%dma_wait3A_674 : memref<32x128xf32, #tpu.memory_space<hbm>>)
    %dma_wait3A_678 = arith.constant 416 : i32
    %dma_wait3A_679 = arith.constant 0 : i32
    %dma_wait3A_680 = tpu.memref_slice %arg8[%dma_wait3A_678, %dma_wait3A_679] : memref<512x128xf32, #tpu.memory_space<vmem>> -> memref<32x128xf32, #tpu.memory_space<vmem>>
    %dma_wait3A_681 = arith.constant 0 : i32
    %dma_wait3A_682 = tpu.memref_slice %arg5[%add3A_497, %dma_wait3A_681] : memref<16384x128xf32, #tpu.memory_space<hbm>> -> memref<32x128xf32, #tpu.memory_space<hbm>>
    %dma_wait3A_683 = arith.constant 0 : i32
    %dma_wait3A_684 = tpu.memref_slice %arg5[%add3A_497, %dma_wait3A_683] : memref<16384x128xf32, #tpu.memory_space<hbm>> -> memref<32x128xf32, #tpu.memory_space<hbm>>
    %dma_wait3A_685 = arith.constant 416 : i32
    %dma_wait3A_686 = arith.constant 0 : i32
    %dma_wait3A_687 = tpu.memref_slice %arg8[%dma_wait3A_685, %dma_wait3A_686] : memref<512x128xf32, #tpu.memory_space<vmem>> -> memref<32x128xf32, #tpu.memory_space<vmem>>
    tpu.wait_dma2 semaphore(%arg11 : memref<!tpu.dma_semaphore, #tpu.memory_space<semaphore_mem>>) src(%dma_wait3A_687 : memref<32x128xf32, #tpu.memory_space<vmem>>) dst(%dma_wait3A_684 : memref<32x128xf32, #tpu.memory_space<hbm>>)
    %dma_wait3A_688 = arith.constant 448 : i32
    %dma_wait3A_689 = arith.constant 0 : i32
    %dma_wait3A_690 = tpu.memref_slice %arg8[%dma_wait3A_688, %dma_wait3A_689] : memref<512x128xf32, #tpu.memory_space<vmem>> -> memref<32x128xf32, #tpu.memory_space<vmem>>
    %dma_wait3A_691 = arith.constant 0 : i32
    %dma_wait3A_692 = tpu.memref_slice %arg5[%add3A_517, %dma_wait3A_691] : memref<16384x128xf32, #tpu.memory_space<hbm>> -> memref<32x128xf32, #tpu.memory_space<hbm>>
    %dma_wait3A_693 = arith.constant 0 : i32
    %dma_wait3A_694 = tpu.memref_slice %arg5[%add3A_517, %dma_wait3A_693] : memref<16384x128xf32, #tpu.memory_space<hbm>> -> memref<32x128xf32, #tpu.memory_space<hbm>>
    %dma_wait3A_695 = arith.constant 448 : i32
    %dma_wait3A_696 = arith.constant 0 : i32
    %dma_wait3A_697 = tpu.memref_slice %arg8[%dma_wait3A_695, %dma_wait3A_696] : memref<512x128xf32, #tpu.memory_space<vmem>> -> memref<32x128xf32, #tpu.memory_space<vmem>>
    tpu.wait_dma2 semaphore(%arg11 : memref<!tpu.dma_semaphore, #tpu.memory_space<semaphore_mem>>) src(%dma_wait3A_697 : memref<32x128xf32, #tpu.memory_space<vmem>>) dst(%dma_wait3A_694 : memref<32x128xf32, #tpu.memory_space<hbm>>)
    %dma_wait3A_698 = arith.constant 480 : i32
    %dma_wait3A_699 = arith.constant 0 : i32
    %dma_wait3A_700 = tpu.memref_slice %arg8[%dma_wait3A_698, %dma_wait3A_699] : memref<512x128xf32, #tpu.memory_space<vmem>> -> memref<32x128xf32, #tpu.memory_space<vmem>>
    %dma_wait3A_701 = arith.constant 0 : i32
    %dma_wait3A_702 = tpu.memref_slice %arg5[%add3A_537, %dma_wait3A_701] : memref<16384x128xf32, #tpu.memory_space<hbm>> -> memref<32x128xf32, #tpu.memory_space<hbm>>
    %dma_wait3A_703 = arith.constant 0 : i32
    %dma_wait3A_704 = tpu.memref_slice %arg5[%add3A_537, %dma_wait3A_703] : memref<16384x128xf32, #tpu.memory_space<hbm>> -> memref<32x128xf32, #tpu.memory_space<hbm>>
    %dma_wait3A_705 = arith.constant 480 : i32
    %dma_wait3A_706 = arith.constant 0 : i32
    %dma_wait3A_707 = tpu.memref_slice %arg8[%dma_wait3A_705, %dma_wait3A_706] : memref<512x128xf32, #tpu.memory_space<vmem>> -> memref<32x128xf32, #tpu.memory_space<vmem>>
    tpu.wait_dma2 semaphore(%arg11 : memref<!tpu.dma_semaphore, #tpu.memory_space<semaphore_mem>>) src(%dma_wait3A_707 : memref<32x128xf32, #tpu.memory_space<vmem>>) dst(%dma_wait3A_704 : memref<32x128xf32, #tpu.memory_space<hbm>>)
    return
  }
}

</mosaic_0001>

<sc_bundles>
// kernel: kernel.3.cloned.1.call-start
scs
__scs_entry_jumppad:
0x0: {  	(pc) =	sbr.rel $0x88, $3  }
0x1: {  	(tag) =	ssettag $0x0;
	lr =	simm.s32 $0x1  }
0x2: {  	[smem:$0x3F9E] =	sst lr;
	_ =	strace $0xD0000000  }
0x3: {  	_ = 	snop  }
0x4: {  	_ = 	snop  }
0x5: {  	_ = 	snop  }
0x6: {  	_ = 	snop  }
0x7: {  	_ = 	snop  }
__scs_overlays_trampoline_lowered:
0x8: {  	[smem:$0x3FAD] =	sst s0  }
0x9: {  	[smem:$0x3FAE] =	sst s1  }
0xa: {  	[smem:$0x3FAF] =	sst s2  }
0xb: {  	[smem:$0x3FB0] =	sst s3  }
0xc: {  	[smem:$0x3FB1] =	sst s4  }
0xd: {  	[smem:$0x3FB2] =	sst s5  }
0xe: {  	[smem:$0x3FB3] =	sst s6  }
0xf: {  	[smem:$0x3FB4] =	sst s7  }
0x10: {  	[smem:$0x3FB5] =	sst s8  }
0x11: {  	[smem:$0x3FB6] =	sst s9;
	s0 =	simm.s32 @!p0 $0x0  }
0x12: {  	s1 =	sld [smem:$0x3F9C];
	s0 =	simm.s32 @p0 $0x1  }
0x13: {  	[smem:$0x3FB7] =	sst s0;
	s0 =	simm.s32 @!p1 $0x0  }
0x14: {  	s2 =	sld [smem:$0x3F9B];
	s0 =	simm.s32 @p1 $0x1  }
0x15: {  	[smem:$0x3FB8] =	sst s0;
	s0 =	simm.s32 @!p2 $0x0  }
0x16: {  	s3 =	sld [smem:$0x3FDB];
	s0 =	simm.s32 @p2 $0x1  }
0x17: {  	s4 =	simm.s32 $0x1BF5;
	[smem:$0x3FBA] =	sst s0  }
0x18: {  	s0 =	sld [smem:$0x3F9D];
	_ =	swait.ge [sflag:s4], $0x0  }
0x19: {  	s7 =	sld [smem:$0x3F9E]  }
0x1a: {  	s8 =	sadd.s32 $0xFFFFE003, lr  }
0x1b: {  	s9 =	sadd.s32 $0xFFFFFEF7, lr;
	s5 =	simm.s32 $0xFFFFFFFF;
	p2 =	slt.u32 s8, $0xFFFFF086  }
0x1c: {  	p1 =	slt.u32 s9, $0xF7A;
	s5 =	simm.s32 @!p2 $0x0  }
0x1d: {  	s5 =	simm.s32 @p1 $0x1;
	p0 =	seq.s32 s7, s2  }
0x1e: {  	s7 =	smul.u32 @!p0 $0xF7A, s2;
	p2 =	seq.s32 @!p0 s5, $0x0  }
0x1f: {  	s9 =	smul.u32 $0xF7A, s1;
	s8 =	simm.s32 @!p0 $0x1BF5;
	p2 =	por !p2, p0  }
0x20: {  	[sflag:s8] =	ssyncset.s32 @!p0 $0xFFFFF086;
	s6 =	sadd.s32 @!p0 s3, s7;
	s7 =	simm.s32 @!p0 $0x108  }
0x21: {  	s3 =	sadd.s32 s3, s9;
	s6 =	sadd.s32 @!p0 $0x88, s6;
	s7 =	simm.s32 @p2 $0x1082  }
0x22: {  	[simem:s7], [sflag:s8] =	dma.local @!p0 [hbm:s6], $0xF7A  }
0x23: {  	s9 =	sor.u32 $0xD0000000, s2;
	s6 =	simm.s32 $0x108;
	_ =	swait.ge @!p0 [sflag:s8], $0x0  }
0x24: {  	s3 =	sadd.s32 $0x88, s3;
	s6 =	simm.s32 @!p1 $0x1082;
	[sflag:s4] =	ssyncset.s32 $0xFFFFF086  }
0x25: {  	[simem:s6], [sflag:s4] =	dma.local [hbm:s3], $0xF7A  }
0x26: {  	[smem:$0x3F9E] =	sst s1;
	(tag) =	ssettag s2;
	_ =	strace s9  }
0x27: {  	s1 =	sld [smem:$0x3FAE]  }
0x28: {  	s2 =	sld [smem:$0x3FAF]  }
0x29: {  	s4 =	sld [smem:$0x3FB1]  }
0x2a: {  	p0 =	seq.s32 s5, $0x0;
	s5 =	sld [smem:$0x3FB2]  }
0x2b: {  	s6 =	sld [smem:$0x3FB3]  }
0x2c: {  	s7 =	sld [smem:$0x3FB4]  }
0x2d: {  	s3 =	simm.s32 $0x108;
	s8 =	sld [smem:$0x3FB5]  }
0x2e: {  	s3 =	simm.s32 @!p0 $0x1082;
	s9 =	sld [smem:$0x3FB6]  }
0x2f: {  	lr =	sadd.s32 s0, s3;
	s0 =	sld [smem:$0x3FAD]  }
0x30: {  	s3 =	sld [smem:$0x3FB0]  }
0x31: {  	[smem:$0x3FB9] =	sst s10  }
0x32: {  	s10 =	sld [smem:$0x3FB7];
	_ =	sdelay $0x3  }
0x33: {  	p0 =	seq.s32 s10, $0x1;
	s10 =	sld [smem:$0x3FB9];
	_ =	sdelay $0x3  }
0x34: {  	[smem:$0x3FB9] =	sst s10  }
0x35: {  	s10 =	sld [smem:$0x3FB8];
	_ =	sdelay $0x3  }
0x36: {  	p1 =	seq.s32 s10, $0x1;
	s10 =	sld [smem:$0x3FB9];
	_ =	sdelay $0x3  }
0x37: {  	[smem:$0x3FB9] =	sst s10  }
0x38: {  	s10 =	sld [smem:$0x3FBA]  }
0x39: {  	_ = 	snop;
	(pc) =	sbr.ind lr, $3  }
0x3a: {  	_ = 	snop  }
0x3b: {  	_ = 	snop  }
0x3c: {  	p2 =	seq.s32 s10, $0x1;
	s10 =	sld [smem:$0x3FB9]  }
0x3d: {  	_ =	shalt  }
0x3e: {  	_ =	shalt  }
0x3f: {  	_ =	shalt  }
0x40: {  	_ =	shalt  }
0x41: {  	_ =	shalt  }
0x42: {  	_ =	shalt  }
0x43: {  	_ =	shalt  }
0x44: {  	_ =	shalt  }
0x45: {  	_ =	shalt  }
0x46: {  	_ =	shalt  }
0x47: {  	_ =	shalt  }
0x48: {  	_ =	shalt  }
0x49: {  	_ =	shalt  }
0x4a: {  	_ =	shalt  }
0x4b: {  	_ =	shalt  }
0x4c: {  	_ =	shalt  }
0x4d: {  	_ =	shalt  }
0x4e: {  	_ =	shalt  }
0x4f: {  	_ =	shalt  }
0x50: {  	_ =	shalt  }
0x51: {  	_ =	shalt  }
0x52: {  	_ =	shalt  }
0x53: {  	_ =	shalt  }
0x54: {  	_ =	shalt  }
0x55: {  	_ =	shalt  }
0x56: {  	_ =	shalt  }
0x57: {  	_ =	shalt  }
0x58: {  	_ =	shalt  }
0x59: {  	_ =	shalt  }
0x5a: {  	_ =	shalt  }
0x5b: {  	_ =	shalt  }
0x5c: {  	_ =	shalt  }
0x5d: {  	_ =	shalt  }
0x5e: {  	_ =	shalt  }
0x5f: {  	_ =	shalt  }
0x60: {  	_ =	shalt  }
0x61: {  	_ =	shalt  }
0x62: {  	_ =	shalt  }
0x63: {  	_ =	shalt  }
0x64: {  	_ =	shalt  }
0x65: {  	_ =	shalt  }
0x66: {  	_ =	shalt  }
0x67: {  	_ =	shalt  }
0x68: {  	_ =	shalt  }
0x69: {  	_ =	shalt  }
0x6a: {  	_ =	shalt  }
0x6b: {  	_ =	shalt  }
0x6c: {  	_ =	shalt  }
0x6d: {  	_ =	shalt  }
0x6e: {  	_ =	shalt  }
0x6f: {  	_ =	shalt  }
0x70: {  	_ =	shalt  }
0x71: {  	_ =	shalt  }
0x72: {  	_ =	shalt  }
0x73: {  	_ =	shalt  }
0x74: {  	_ =	shalt  }
0x75: {  	_ =	shalt  }
0x76: {  	_ =	shalt  }
0x77: {  	_ =	shalt  }
0x78: {  	_ =	shalt  }
0x79: {  	_ =	shalt  }
0x7a: {  	_ =	shalt  }
0x7b: {  	_ =	shalt  }
0x7c: {  	_ =	shalt  }
0x7d: {  	_ =	shalt  }
0x7e: {  	_ =	shalt  }
0x7f: {  	_ =	shalt  }
0x80: {  	_ =	shalt  }
0x81: {  	_ =	shalt  }
0x82: {  	_ =	shalt  }
0x83: {  	_ =	shalt  }
0x84: {  	_ =	shalt  }
0x85: {  	_ =	shalt  }
0x86: {  	_ =	shalt  }
0x87: {  	_ =	shalt  }
.Lfunc_end0:
.L_simem_size_0:
called_computation_lowered:
.L_overlay_start_0:
0x88: {  	s2 =	sld [smem:$0x3FD9]  }
0x89: {  	s3 =	sld [smem:$0x3FFE];
	_ =	sdelay $0x1  }
0x8a: {  	s1 =	srdreg.scid  }
0x8b: {  	s0 =	sand.u32 $0x1, s1  }
0x8c: {  	s17 =	sshll.u32 s0, $0xA;
	s2 =	sadd.s32 s3, s2  }
0x8d: {  	s2 =	sadd.s32 s2, s17  }
0x8e: {  	[smem:$0x3FC5] =	sst s2  }
0x8f: {  	_ = 	snop  }
0x90: {  	s2 =	sld [smem:$0x3FC9]  }
0x91: {  	s18 =	sld [smem:$0x3FC8]  }
0x92: {  	s4 =	sld [smem:$0x3FD0];
	(tm) =	ssettm $0x1  }
0x93: {  	s5 =	sld [smem:$0x3FFB];
	_ =	sdelay $0x3  }
0x94: {  	_ =	strace s5  }
0x95: {  	s5 =	sld [smem:$0x3FFC];
	_ =	sdelay $0x3  }
0x96: {  	_ =	strace s5  }
0x97: {  	s5 =	sld [smem:$0x3FFD];
	_ =	sdelay $0x3  }
0x98: {  	_ =	strace s5  }
0x99: {  	_ =	strace $0x8FFFFFFF  }
0x9a: {  	s19 =	sld [smem:$0x3FDB];
	_ =	sdelay $0x1  }
0x9b: {  	s6 =	simm.s32 $_scs_section_size  }
0x9c: {  	s7 =	simm.s32 $_size__tile_overlayer_lowered;
	s8 =	simm.s32 $_tile_overlayer_lowered  }
0x9d: {  	s22 =	simm.s32 $0x1BFF;
	s21 =	sshll.u32 s8, $0x1;
	s5 =	sadd.s32 s6, s19  }
0x9e: {  	s9 =	simm.s32 $0x0;
	s20 =	sshll.u32 s7, $0x1;
	s7 =	sadd.s32 s21, s5  }
0x9f: {  	[timem:s9], [sflag:s22] =	dma.local [hbm:s7], s20  }
0xa0: {  	_ =	swait.ge [sflag:s22], s20  }
0xa1: {  	s6 =	ssub.s32 $0x0, s20;
	[sflag:s22] =	ssyncset.done $0x0  }
0xa2: {  	[sflag:s22] =	ssyncadd.s32 s6;
	_ =	sdelay $0x1  }
0xa3: {  	s23 =	simm.s32 $0x1B8B  }
0xa4: {  	_ =	swait.ge [sflag:s23], $0x1  }
0xa5: {  	[sflag:s23] =	ssyncset.done $0x0  }
0xa6: {  	s25 =	simm.s32 $0x1B8E;
	s24 =	sld [smem:$0x3FFE];
	[sflag:s23] =	ssyncadd.s32 $0xFFFFFFFF  }
0xa7: {  	s26 =	simm.s32 $execute0_lowered;
	[smem:$0x3FD2] =	sst s25  }
0xa8: {  	s7 =	sshll.u32 s26, $0x1;
	_ =	strace $0x80000046;
	[dreg:$0x1] =	wrdreg $0xFFFFFFFF  }
0xa9: {  	s28 =	simm.s32 $_size_execute0_lowered;
	s5 =	sadd.s32 s5, s7;
	[dreg:$0x0] =	wrdreg $0x0  }
0xaa: {  	s7 =	sshll.u32 s28, $0x1;
	[dreg:$0x2] =	wrdreg s5  }
0xab: {  	[dreg:$0x3] =	wrdreg s7  }
0xac: {  	[dreg:$0x4] =	wrdreg $0xC0  }
0xad: {  	_ =	task [dreg:s9], $0x5FFFF  }
0xae: {  	[dreg:$0x1] =	wrdreg $0xFFFFFFFF  }
0xaf: {  	[dreg:$0x0] =	wrdreg $0x60  }
0xb0: {  	[dreg:$0x2] =	wrdreg s2  }
0xb1: {  	[dreg:$0x3] =	wrdreg s18  }
0xb2: {  	[dreg:$0x4] =	wrdreg s24  }
0xb3: {  	[dreg:$0x5] =	wrdreg s4  }
0xb4: {  	[dreg:$0x6] =	wrdreg $0x104000  }
0xb5: {  	[dreg:$0x7] =	wrdreg $0x9  }
0xb6: {  	_ =	task.clear_ibuf [dreg:s9], $0x8FFFF;
	_ =	strace $0x90000046  }
0xb7: {  	s29 =	simm.s32 $0x9;
	_ =	strace $0x80000048  }
0xb8: {  	_ =	swait.ge [sflag:s29], $0x1  }
0xb9: {  	[sflag:s29] =	ssyncadd.s32 $0xFFFFFFFF  }
0xba: {  	_ =	strace $0x90000048  }
0xbb: {  	_ =	sfence  }
0xbc: {  	s30 =	sld [smem:$0x0];
	_ =	sdelay $0x2  }
0xbd: {  	s31 =	sshll.u32 s1, $0xD;
	s1 =	sshrl.u32 s1, $0x2  }
0xbe: {  	s3 =	sand.u32 $0x4000, s31;
	s1 =	sadd.s32 s1, s30  }
0xbf: {  	s0 =	sor.u32 s3, s0;
	s1 =	sshll.u32 s1, $0x11  }
0xc0: {  	s0 =	sor.u32 s1, s0  }
0xc1: {  	s0 =	sadd.s32 $0x8F2B, s0  }
0xc2: {  	[sflag:s0] =	ssyncadd.remote.s32 $0x1  }
0xc3: {  	_ =	sfence.sel $0xFFFF  }
0xc4: {  	[dreg:$0x0] =	wrdreg $0xFFFFFFFF;
	(pc) =	sbr.abs _section_cstart, $3  }
0xc5: {  	[dreg:$0x1] =	wrdreg $0xFFFFFFFF  }
0xc6: {  	_ =	task.clear_ibuf [dreg:s9], $0x2FFFF;
	_ =	strace $0x9FFFFFFF  }
0xc7: {  	(tm) =	ssettm $0x7FFFFFFF  }
tec
execute0_lowered:
.L_overlay_start_1:
0x0: {  	(tag) =	ssettag $0x1  }
0x1: {  	s0 =	rddreg [dreg:$0x0]  }
0x2: {  	s3 =	rddreg [dreg:$0x1]  }
0x3: {  	s4 =	rddreg [dreg:$0x2]  }
0x4: {  	s5 =	rddreg [dreg:$0x3]  }
0x5: {  	s1 =	rddreg [dreg:$0x4];
	s2 =	simm.s32 $0x0;
	s6 =	srdreg.scid  }
0x6: {  	s11 =	stileid.u32;
	[smem:$0x7FF] =	sst s2  }
0x7: {  	s4 =	sadd.s32 $0x400, s4;
	s6 =	sand.u32 $0x1, s6;
	s8 =	sshll.u32 s11, $0xA  }
0x8: {  	s10 =	sshll.u32 s11, $0x6;
	_ =	strace $0x80000047;
	s7 =	ssub.s32 $0x2, s6  }
0x9: {  	s6 =	sshll.u32 s6, $0x9;
	s10 =	sor.u32 $0x20, s10;
	s26 =	sadd.s32 s4, s8  }
0xa: {  	s6 =	sor.u32 s6, s8;
	s25 =	sshll.u32 s10, $0x4;
	s8 =	sshll.u32 s10, $0x7  }
0xb: {  	[dreg:$0x8] =	wrdreg s26;
	s23 =	sshrl.u32 s6, $0x3;
	s10 =	sadd.s32 s8, s1  }
0xc: {  	s9 =	sshrl.u32 s7, $0x1;
	s0 =	sadd.s32 s0, s23;
	[dreg:$0xb] =	wrdreg s10  }
0xd: {  	s7 =	ssub.s32 s7, s9;
	s24 =	sadd.s32 s3, s23;
	[dreg:$0x6] =	wrdreg s0  }
0xe: {  	[dreg:$0x7] =	wrdreg s24;
	s0 =	sadd.s32 s4, s25;
	s4 =	sshll.u32 s6, $0x4  }
0xf: {  	s6 =	sshll.u32 s11, $0xD;
	s25 =	smax.u32 s7, $0x1;
	[dreg:$0x9] =	wrdreg s0  }
0x10: {  	s9 =	sadd.s32 s6, s1;
	[dreg:$0x1a] =	wrdreg s25  }
0x11: {  	s5 =	sadd.s32 s5, s4;
	[dreg:$0xa] =	wrdreg s9  }
0x12: {  	s11 =	sadd.s32 $0x200, s5;
	[dreg:$0x1c] =	wrdreg s5  }
0x13: {  	s12 =	sadd.s32 $0x400, s5;
	[dreg:$0xc] =	wrdreg s11  }
0x14: {  	s13 =	sadd.s32 $0x600, s5;
	[dreg:$0xd] =	wrdreg s12  }
0x15: {  	s14 =	sadd.s32 $0x800, s5;
	[dreg:$0xe] =	wrdreg s13  }
0x16: {  	s29 =	simm.s32 $0x400;
	s15 =	sadd.s32 $0xA00, s5;
	[dreg:$0xf] =	wrdreg s14  }
0x17: {  	s30 =	simm.s32 $0x1400;
	s16 =	sadd.s32 $0xC00, s5;
	[dreg:$0x10] =	wrdreg s15  }
0x18: {  	s31 =	simm.s32 $0x3;
	s17 =	sadd.s32 $0xE00, s5;
	[dreg:$0x11] =	wrdreg s16  }
0x19: {  	s28 =	simm.s32 $0x5;
	s18 =	sadd.s32 $0x1000, s5;
	[dreg:$0x12] =	wrdreg s17  }
0x1a: {  	s3 =	simm.s32 $0x1;
	s19 =	sadd.s32 $0x1200, s5;
	[dreg:$0x13] =	wrdreg s18  }
0x1b: {  	s10 =	simm.s32 $0x10;
	s20 =	sadd.s32 $0x1400, s5;
	[dreg:$0x14] =	wrdreg s19  }
0x1c: {  	s7 =	simm.s32 $0xF400;
	s21 =	sadd.s32 $0x1600, s5;
	[dreg:$0x15] =	wrdreg s20  }
0x1d: {  	s0 =	simm.s32 $0x4;
	s22 =	sadd.s32 $0x1800, s5;
	[dreg:$0x16] =	wrdreg s21  }
0x1e: {  	s4 =	simm.s32 $0x6;
	s23 =	sadd.s32 $0x1A00, s5;
	[dreg:$0x17] =	wrdreg s22  }
0x1f: {  	s25 =	simm.s32 $0xC400;
	s24 =	sadd.s32 $0x1C00, s5;
	[dreg:$0x18] =	wrdreg s23  }
0x20: {  	s6 =	simm.s32 $0xE400;
	s26 =	sadd.s32 $0x1E00, s5;
	[dreg:$0x19] =	wrdreg s24  }
0x21: {  	s5 =	simm.s32 $0x20;
	s9 =	simm.s32 $0xF;
	[dreg:$0x1b] =	wrdreg s26  }
0x22: {  	s11 =	simm.s32 $0x11;
	s12 =	simm.s32 $0x12;
	s13 =	simm.s32 $0x2  }
0x23: {  	s14 =	simm.s32 $0x0;
	s18 =	simm.s32 $0x4400;
	s19 =	simm.s32 $0x5400  }
0x24: {  	s20 =	simm.s32 $0x6400;
	s21 =	simm.s32 $0x8400;
	s22 =	simm.s32 $0x9400  }
0x25: {  	s23 =	simm.s32 $0xA400;
	s24 =	simm.s32 $0xB400;
	s26 =	simm.s32 $0xD400  }
.LBB2_1:
0x26: {  	s15 =	rddreg [dreg:$0x6]  }
0x27: {  	[tilespmem:s2], [sflag:$0x1] =	stream.linear.gather [hbm4b:s15+s2], $0x200, $0x38;
	[tilespmem:$0x12400] =	vst v63  }
0x28: {  	s8 =	rddreg [dreg:$0x7];
	s16 =	simm.s32 $0x200  }
0x29: {  	[tilespmem:s16], [sflag:$0x1] =	stream.linear.gather [hbm4b:s8+s2], $0x200, $0x38;
	[tilespmem:$0x12400] =	vst v63  }
0x2a: {  	s17 =	rddreg [dreg:$0x8]  }
0x2b: {  	[tilespmem:s29], [sflag:$0x3] =	stream.linear.gather [hbm4b:s17+s2], $0x1000, $0x38;
	[tilespmem:$0x12400] =	vst v63  }
0x2c: {  	s8 =	rddreg [dreg:$0x9]  }
0x2d: {  	[tilespmem:s30], [sflag:$0x4] =	stream.linear.gather [hbm4b:s8+s2], $0x1000, $0x38;
	[tilespmem:$0x12400] =	vst v63  }
0x2e: {  	_ =	swait.ge [sflag:s31], $0x1000  }
0x2f: {  	[sflag:s31] =	ssyncset.done $0x0  }
0x30: {  	s16 =	rddreg [dreg:$0xa];
	[sflag:s31] =	ssyncadd.s32 $0xFFFFF000  }
0x31: {  	[spmem:s16] =	stream.linear.scatter [tilespmem:s29], [sflag:$0x5], $0x1000, $0x38;
	[tilespmem:$0x12400] =	vst v63  }
0x32: {  	_ =	swait.ge [sflag:s0], $0x1000  }
0x33: {  	[sflag:s0] =	ssyncset.done $0x0  }
0x34: {  	s17 =	rddreg [dreg:$0xb];
	[sflag:s0] =	ssyncadd.s32 $0xFFFFF000  }
0x35: {  	[spmem:s17] =	stream.linear.scatter [tilespmem:s30], [sflag:$0x6], $0x1000, $0x38;
	[tilespmem:$0x12400] =	vst v63  }
0x36: {  	_ =	swait.ge [sflag:s3], $0x200  }
0x37: {  	[sflag:s3] =	ssyncset.done $0x0  }
0x38: {  	[sflag:s3] =	ssyncadd.s32 $0xFFFFFE00  }
0x39: {  	_ =	swait.ge [sflag:s3], $0x200  }
0x3a: {  	[sflag:s3] =	ssyncset.done $0x0  }
0x3b: {  	s15 =	simm.s32 $0x0;
	[sflag:s3] =	ssyncadd.s32 $0xFFFFFE00  }
0x3c: {  	v0 =	vld [tilespmem:s15+$0x200]  }
0x3d: {  	v1 =	vld [tilespmem:s15+$0x0];
	_ =	sdelay $0x3  }
0x3e: {  	vm0 =	veq.s32 v0, $0x1  }
0x3f: {  	s16 =	simm.s32 $0x80;
	s17 =	simm.s32 $0x10;
	v0 =	vsel vm0, $0x3E8, v1  }
.LBB2_2:
0x40: {  	p0 =	sne.s32 s16, $0x7C0;
	v1 =	vld [tilespmem:s17+$0x200];
	[tilespmem:s15+$0x0] =	vst v0;
	s15 =	smov.u32 s17  }
0x41: {  	v0 =	vld [tilespmem:s15+$0x0]  }
.Ltmp0:
0x42: {  	(pc) =	sbr.rel @p0 .LBB2_2-.Ltmp0, $3  }
0x43: {  	_ =	sdelay $0x1  }
0x44: {  	vm0 =	veq.s32 v1, $0x1  }
0x45: {  	s17 =	sshra.s32 s16, $0x2;
	s16 =	sadd.s32 $0x40, s16;
	v0 =	vsel vm0, $0x3E8, v0  }
0x46: {  	v1 =	vld [tilespmem:s17+$0x200];
	[tilespmem:s15+$0x0] =	vst v0  }
0x47: {  	v0 =	vld [tilespmem:s17+$0x0];
	_ =	sdelay $0x3  }
0x48: {  	vm0 =	veq.s32 v1, $0x1  }
0x49: {  	v0 =	vsel vm0, $0x3E8, v0  }
0x4a: {  	[tilespmem:s17+$0x0] =	vst v0  }
0x4b: {  	_ =	swait.ge [sflag:s28], $0x1000  }
0x4c: {  	[sflag:s28] =	ssyncset.done $0x0  }
0x4d: {  	[sflag:s28] =	ssyncadd.s32 $0xFFFFF000  }
0x4e: {  	_ =	swait.ge [sflag:s4], $0x1000  }
0x4f: {  	[sflag:s4] =	ssyncset.done $0x0  }
0x50: {  	[sflag:s4] =	ssyncadd.s32 $0xFFFFF000  }
0x51: {  	[bflag:$0x0] =	sbarrier.arrive $0xFFFF  }
0x52: {  	[tilespmem:s29], [sflag:$0x3] =	stream.indirect.gather [spmem:s1], $0x80, s2, s5, $0xb8;
	[tilespmem:$0x12400] =	vst v63  }
0x53: {  	_ = 	snop  }
0x54: {  	[tilespmem:s30], [sflag:$0x4] =	stream.indirect.gather [spmem:s1], $0x80, s5, s5, $0xb8;
	[tilespmem:$0x12400] =	vst v63  }
0x55: {  	s16 =	simm.s32 $0x2400;
	s17 =	simm.s32 $0x40  }
0x56: {  	[tilespmem:s16], [sflag:$0x5] =	stream.indirect.gather [spmem:s1], $0x80, s17, s5, $0xb8;
	[tilespmem:$0x12400] =	vst v63  }
0x57: {  	s8 =	simm.s32 $0x60;
	s17 =	simm.s32 $0x3400  }
0x58: {  	[tilespmem:s17], [sflag:$0x6] =	stream.indirect.gather [spmem:s1], $0x80, s8, s5, $0xb8;
	[tilespmem:$0x12400] =	vst v63  }
0x59: {  	s8 =	simm.s32 $0x80  }
0x5a: {  	[tilespmem:s18], [sflag:$0x7] =	stream.indirect.gather [spmem:s1], $0x80, s8, s5, $0xb8;
	[tilespmem:$0x12400] =	vst v63  }
0x5b: {  	s8 =	simm.s32 $0xA0  }
0x5c: {  	[tilespmem:s19], [sflag:$0x8] =	stream.indirect.gather [spmem:s1], $0x80, s8, s5, $0xb8;
	[tilespmem:$0x12400] =	vst v63  }
0x5d: {  	s8 =	simm.s32 $0xC0  }
0x5e: {  	[tilespmem:s20], [sflag:$0x9] =	stream.indirect.gather [spmem:s1], $0x80, s8, s5, $0xb8;
	[tilespmem:$0x12400] =	vst v63  }
0x5f: {  	s15 =	simm.s32 $0xE0;
	s8 =	simm.s32 $0x7400  }
0x60: {  	[tilespmem:s8], [sflag:$0xA] =	stream.indirect.gather [spmem:s1], $0x80, s15, s5, $0xb8;
	[tilespmem:$0x12400] =	vst v63  }
0x61: {  	s15 =	simm.s32 $0x100  }
0x62: {  	[tilespmem:s21], [sflag:$0xB] =	stream.indirect.gather [spmem:s1], $0x80, s15, s5, $0xb8;
	[tilespmem:$0x12400] =	vst v63  }
0x63: {  	s15 =	simm.s32 $0x120  }
0x64: {  	[tilespmem:s22], [sflag:$0xC] =	stream.indirect.gather [spmem:s1], $0x80, s15, s5, $0xb8;
	[tilespmem:$0x12400] =	vst v63  }
0x65: {  	s15 =	simm.s32 $0x140  }
0x66: {  	[tilespmem:s23], [sflag:$0xD] =	stream.indirect.gather [spmem:s1], $0x80, s15, s5, $0xb8;
	[tilespmem:$0x12400] =	vst v63  }
0x67: {  	s15 =	simm.s32 $0x160  }
0x68: {  	[tilespmem:s24], [sflag:$0xE] =	stream.indirect.gather [spmem:s1], $0x80, s15, s5, $0xb8;
	[tilespmem:$0x12400] =	vst v63  }
0x69: {  	s15 =	simm.s32 $0x180  }
0x6a: {  	[tilespmem:s25], [sflag:$0xF] =	stream.indirect.gather [spmem:s1], $0x80, s15, s5, $0xb8;
	[tilespmem:$0x12400] =	vst v63  }
0x6b: {  	s15 =	simm.s32 $0x1A0  }
0x6c: {  	[tilespmem:s26], [sflag:$0x10] =	stream.indirect.gather [spmem:s1], $0x80, s15, s5, $0xb8;
	[tilespmem:$0x12400] =	vst v63  }
0x6d: {  	s15 =	simm.s32 $0x1C0  }
0x6e: {  	[tilespmem:s6], [sflag:$0x11] =	stream.indirect.gather [spmem:s1], $0x80, s15, s5, $0xb8;
	[tilespmem:$0x12400] =	vst v63  }
0x6f: {  	s15 =	simm.s32 $0x1E0  }
0x70: {  	[tilespmem:s7], [sflag:$0x12] =	stream.indirect.gather [spmem:s1], $0x80, s15, s5, $0xb8;
	[tilespmem:$0x12400] =	vst v63  }
0x71: {  	_ =	swait.ge [sflag:s31], $0x1000  }
0x72: {  	[sflag:s31] =	ssyncset.done $0x0  }
0x73: {  	s15 =	rddreg [dreg:$0x1c];
	[sflag:s31] =	ssyncadd.s32 $0xFFFFF000  }
0x74: {  	[hbm4b:s15+s2] =	stream.linear.scatter [tilespmem:s29], [sflag:$0x2], $0x1000, $0x38;
	[tilespmem:$0x12400] =	vst v63  }
0x75: {  	_ =	swait.ge [sflag:s0], $0x1000  }
0x76: {  	[sflag:s0] =	ssyncset.done $0x0  }
0x77: {  	s15 =	rddreg [dreg:$0xc];
	[sflag:s0] =	ssyncadd.s32 $0xFFFFF000  }
0x78: {  	[hbm4b:s15+s2] =	stream.linear.scatter [tilespmem:s30], [sflag:$0x2], $0x1000, $0x38;
	[tilespmem:$0x12400] =	vst v63  }
0x79: {  	_ =	swait.ge [sflag:s28], $0x1000  }
0x7a: {  	[sflag:s28] =	ssyncset.done $0x0  }
0x7b: {  	s15 =	rddreg [dreg:$0xd];
	[sflag:s28] =	ssyncadd.s32 $0xFFFFF000  }
0x7c: {  	[hbm4b:s15+s2] =	stream.linear.scatter [tilespmem:s16], [sflag:$0x2], $0x1000, $0x38;
	[tilespmem:$0x12400] =	vst v63  }
0x7d: {  	_ =	swait.ge [sflag:s4], $0x1000  }
0x7e: {  	[sflag:s4] =	ssyncset.done $0x0  }
0x7f: {  	s16 =	rddreg [dreg:$0xe];
	[sflag:s4] =	ssyncadd.s32 $0xFFFFF000  }
0x80: {  	[hbm4b:s16+s2] =	stream.linear.scatter [tilespmem:s17], [sflag:$0x2], $0x1000, $0x38;
	[tilespmem:$0x12400] =	vst v63  }
0x81: {  	s16 =	simm.s32 $0x7  }
0x82: {  	_ =	swait.ge [sflag:s16], $0x1000  }
0x83: {  	[sflag:s16] =	ssyncset.done $0x0  }
0x84: {  	s17 =	rddreg [dreg:$0xf];
	[sflag:s16] =	ssyncadd.s32 $0xFFFFF000;
	s16 =	simm.s32 $0x8  }
0x85: {  	[hbm4b:s17+s2] =	stream.linear.scatter [tilespmem:s18], [sflag:$0x2], $0x1000, $0x38;
	[tilespmem:$0x12400] =	vst v63  }
0x86: {  	_ =	swait.ge [sflag:s16], $0x1000  }
0x87: {  	[sflag:s16] =	ssyncset.done $0x0  }
0x88: {  	s17 =	rddreg [dreg:$0x10];
	[sflag:s16] =	ssyncadd.s32 $0xFFFFF000;
	s16 =	simm.s32 $0x9  }
0x89: {  	[hbm4b:s17+s2] =	stream.linear.scatter [tilespmem:s19], [sflag:$0x2], $0x1000, $0x38;
	[tilespmem:$0x12400] =	vst v63  }
0x8a: {  	_ =	swait.ge [sflag:s16], $0x1000  }
0x8b: {  	[sflag:s16] =	ssyncset.done $0x0  }
0x8c: {  	s17 =	rddreg [dreg:$0x11];
	[sflag:s16] =	ssyncadd.s32 $0xFFFFF000;
	s16 =	simm.s32 $0xA  }
0x8d: {  	[hbm4b:s17+s2] =	stream.linear.scatter [tilespmem:s20], [sflag:$0x2], $0x1000, $0x38;
	[tilespmem:$0x12400] =	vst v63  }
0x8e: {  	_ =	swait.ge [sflag:s16], $0x1000  }
0x8f: {  	[sflag:s16] =	ssyncset.done $0x0  }
0x90: {  	s15 =	simm.s32 $0xB;
	s17 =	rddreg [dreg:$0x12];
	[sflag:s16] =	ssyncadd.s32 $0xFFFFF000  }
0x91: {  	[hbm4b:s17+s2] =	stream.linear.scatter [tilespmem:s8], [sflag:$0x2], $0x1000, $0x38;
	[tilespmem:$0x12400] =	vst v63  }
0x92: {  	_ =	swait.ge [sflag:s15], $0x1000  }
0x93: {  	[sflag:s15] =	ssyncset.done $0x0  }
0x94: {  	s17 =	simm.s32 $0xC;
	s16 =	rddreg [dreg:$0x13];
	[sflag:s15] =	ssyncadd.s32 $0xFFFFF000  }
0x95: {  	[hbm4b:s16+s2] =	stream.linear.scatter [tilespmem:s21], [sflag:$0x2], $0x1000, $0x38;
	[tilespmem:$0x12400] =	vst v63  }
0x96: {  	_ =	swait.ge [sflag:s17], $0x1000  }
0x97: {  	[sflag:s17] =	ssyncset.done $0x0  }
0x98: {  	s15 =	simm.s32 $0xD;
	s8 =	rddreg [dreg:$0x14];
	[sflag:s17] =	ssyncadd.s32 $0xFFFFF000  }
0x99: {  	[hbm4b:s8+s2] =	stream.linear.scatter [tilespmem:s22], [sflag:$0x2], $0x1000, $0x38;
	[tilespmem:$0x12400] =	vst v63  }
0x9a: {  	_ =	swait.ge [sflag:s15], $0x1000  }
0x9b: {  	[sflag:s15] =	ssyncset.done $0x0  }
0x9c: {  	s17 =	simm.s32 $0xE;
	s16 =	rddreg [dreg:$0x15];
	[sflag:s15] =	ssyncadd.s32 $0xFFFFF000  }
0x9d: {  	[hbm4b:s16+s2] =	stream.linear.scatter [tilespmem:s23], [sflag:$0x2], $0x1000, $0x38;
	[tilespmem:$0x12400] =	vst v63  }
0x9e: {  	_ =	swait.ge [sflag:s17], $0x1000  }
0x9f: {  	[sflag:s17] =	ssyncset.done $0x0  }
0xa0: {  	s8 =	rddreg [dreg:$0x16];
	[sflag:s17] =	ssyncadd.s32 $0xFFFFF000  }
0xa1: {  	[hbm4b:s8+s2] =	stream.linear.scatter [tilespmem:s24], [sflag:$0x2], $0x1000, $0x38;
	[tilespmem:$0x12400] =	vst v63  }
0xa2: {  	_ =	swait.ge [sflag:s9], $0x1000  }
0xa3: {  	[sflag:s9] =	ssyncset.done $0x0  }
0xa4: {  	s16 =	rddreg [dreg:$0x17];
	[sflag:s9] =	ssyncadd.s32 $0xFFFFF000  }
0xa5: {  	[hbm4b:s16+s2] =	stream.linear.scatter [tilespmem:s25], [sflag:$0x2], $0x1000, $0x38;
	[tilespmem:$0x12400] =	vst v63  }
0xa6: {  	_ =	swait.ge [sflag:s10], $0x1000  }
0xa7: {  	[sflag:s10] =	ssyncset.done $0x0  }
0xa8: {  	s17 =	rddreg [dreg:$0x18];
	[sflag:s10] =	ssyncadd.s32 $0xFFFFF000  }
0xa9: {  	[hbm4b:s17+s2] =	stream.linear.scatter [tilespmem:s26], [sflag:$0x2], $0x1000, $0x38;
	[tilespmem:$0x12400] =	vst v63  }
0xaa: {  	_ =	swait.ge [sflag:s11], $0x1000  }
0xab: {  	[sflag:s11] =	ssyncset.done $0x0  }
0xac: {  	s8 =	rddreg [dreg:$0x19];
	[sflag:s11] =	ssyncadd.s32 $0xFFFFF000  }
0xad: {  	[hbm4b:s8+s2] =	stream.linear.scatter [tilespmem:s6], [sflag:$0x2], $0x1000, $0x38;
	[tilespmem:$0x12400] =	vst v63  }
0xae: {  	_ =	swait.ge [sflag:s12], $0x1000  }
0xaf: {  	[sflag:s12] =	ssyncset.done $0x0  }
0xb0: {  	s16 =	rddreg [dreg:$0x1b];
	[sflag:s12] =	ssyncadd.s32 $0xFFFFF000  }
0xb1: {  	[hbm4b:s16+s2] =	stream.linear.scatter [tilespmem:s7], [sflag:$0x2], $0x1000, $0x38;
	[tilespmem:$0x12400] =	vst v63  }
0xb2: {  	_ =	swait.ge [sflag:s13], $0x1000  }
0xb3: {  	[sflag:s13] =	ssyncset.done $0x0  }
0xb4: {  	[sflag:s13] =	ssyncadd.s32 $0xFFFFF000  }
0xb5: {  	_ =	swait.ge [sflag:s13], $0x1000  }
0xb6: {  	[sflag:s13] =	ssyncset.done $0x0  }
0xb7: {  	[sflag:s13] =	ssyncadd.s32 $0xFFFFF000  }
0xb8: {  	_ =	swait.ge [sflag:s13], $0x1000  }
0xb9: {  	[sflag:s13] =	ssyncset.done $0x0  }
0xba: {  	[sflag:s13] =	ssyncadd.s32 $0xFFFFF000  }
0xbb: {  	_ =	swait.ge [sflag:s13], $0x1000  }
0xbc: {  	[sflag:s13] =	ssyncset.done $0x0  }
0xbd: {  	[sflag:s13] =	ssyncadd.s32 $0xFFFFF000  }
0xbe: {  	_ =	swait.ge [sflag:s13], $0x1000  }
0xbf: {  	[sflag:s13] =	ssyncset.done $0x0  }
0xc0: {  	[sflag:s13] =	ssyncadd.s32 $0xFFFFF000  }
0xc1: {  	_ =	swait.ge [sflag:s13], $0x1000  }
0xc2: {  	[sflag:s13] =	ssyncset.done $0x0  }
0xc3: {  	[sflag:s13] =	ssyncadd.s32 $0xFFFFF000  }
0xc4: {  	_ =	swait.ge [sflag:s13], $0x1000  }
0xc5: {  	[sflag:s13] =	ssyncset.done $0x0  }
0xc6: {  	[sflag:s13] =	ssyncadd.s32 $0xFFFFF000  }
0xc7: {  	_ =	swait.ge [sflag:s13], $0x1000  }
0xc8: {  	[sflag:s13] =	ssyncset.done $0x0  }
0xc9: {  	[sflag:s13] =	ssyncadd.s32 $0xFFFFF000  }
0xca: {  	_ =	swait.ge [sflag:s13], $0x1000  }
0xcb: {  	[sflag:s13] =	ssyncset.done $0x0  }
0xcc: {  	[sflag:s13] =	ssyncadd.s32 $0xFFFFF000  }
0xcd: {  	_ =	swait.ge [sflag:s13], $0x1000  }
0xce: {  	[sflag:s13] =	ssyncset.done $0x0  }
0xcf: {  	[sflag:s13] =	ssyncadd.s32 $0xFFFFF000  }
0xd0: {  	_ =	swait.ge [sflag:s13], $0x1000  }
0xd1: {  	[sflag:s13] =	ssyncset.done $0x0  }
0xd2: {  	[sflag:s13] =	ssyncadd.s32 $0xFFFFF000  }
0xd3: {  	_ =	swait.ge [sflag:s13], $0x1000  }
0xd4: {  	[sflag:s13] =	ssyncset.done $0x0  }
0xd5: {  	[sflag:s13] =	ssyncadd.s32 $0xFFFFF000  }
0xd6: {  	_ =	swait.ge [sflag:s13], $0x1000  }
0xd7: {  	[sflag:s13] =	ssyncset.done $0x0  }
0xd8: {  	[sflag:s13] =	ssyncadd.s32 $0xFFFFF000  }
0xd9: {  	_ =	swait.ge [sflag:s13], $0x1000  }
0xda: {  	[sflag:s13] =	ssyncset.done $0x0  }
0xdb: {  	[sflag:s13] =	ssyncadd.s32 $0xFFFFF000  }
0xdc: {  	_ =	swait.ge [sflag:s13], $0x1000  }
0xdd: {  	[sflag:s13] =	ssyncset.done $0x0  }
0xde: {  	[sflag:s13] =	ssyncadd.s32 $0xFFFFF000  }
0xdf: {  	_ =	swait.ge [sflag:s13], $0x1000  }
0xe0: {  	s14 =	sadd.s32 $0x1, s14;
	s17 =	rddreg [dreg:$0x1a]  }
0xe1: {  	p0 =	sne.s32 s14, s17  }
.Ltmp1:
0xe2: {  	_ = 	snop;
	(pc) =	sbr.rel @p0 .LBB2_1-.Ltmp1, $3  }
0xe3: {  	_ =	sdelay $0x1  }
0xe4: {  	[sflag:s13] =	ssyncset.done $0x0  }
0xe5: {  	[sflag:s13] =	ssyncadd.s32 $0xFFFFF000  }
0xe6: {  	_ =	sfence.sel $0x180000  }
0xe7: {  	[bflag:$0x0] =	sbarrier.arrive $0xFFFF  }
0xe8: {  	_ =	strace $0x90000047  }
0xe9: {  	s0 =	stileid.u32;
	[bflag:$0x2] =	sbarrier.arrive $0xFFFF  }
0xea: {  	p0 =	sne.s32 s0, $0x0;
	s0 =	rddreg [dreg:$0x5]  }
0xeb: {  	s0 =	sadd.s32 @!p0 $0x100000, s0  }
0xec: {  	[sflag:s0] =	ssyncadd.tile.s32 @!p0 $0x1;
	_ =	shalt  }
.Lfunc_end2:
_tile_overlayer_lowered:
.L_overlay_start_2:
0xed: {  	(tag) =	ssettag $0x2  }
0xee: {  	s0 =	rddreg [dreg:$0x0];
	s2 =	stileid.u32  }
0xef: {  	s1 =	rddreg [dreg:$0x1];
	p0 =	sne.s32 s2, $0x0  }
0xf0: {  	s3 =	rddreg [dreg:$0x2];
	[bflag:$0x3] =	sbarrier.arrive $0xFFFF;
	s2 =	simm.s32 @!p0 $0x1C13  }
0xf1: {  	[timem:s3], [sflag:s2] =	dma.local @!p0 [hbm:s0], s1  }
0xf2: {  	s0 =	simm.s32 @!p0 $0x13  }
0xf3: {  	_ =	swait.ge @!p0 [sflag:s0], s1  }
0xf4: {  	s1 =	ssub.s32 @!p0 $0x0, s1;
	[sflag:s0] =	ssyncset.done @!p0 $0x0  }
0xf5: {  	[sflag:s0] =	ssyncadd.s32 @!p0 s1  }
0xf6: {  	[bflag:$0x3] =	sbarrier.arrive $0xFFFF  }
0xf7: {  	_ =	shalt  }

</sc_bundles>
